<compile_context>
chip_gen: v7x
topology: tpu7x:2x2x1
jax: 0.10.2.dev20260603
libtpu: 0.0.44.dev20260713+nightly
codegen_flags: <defaults>
</compile_context>

<pallas_src>
import functools

import jax
import jax.numpy as jnp
from jax import lax
from jax.experimental import pallas as pl
from jax.experimental.pallas import tpu as pltpu
from jax.experimental.pallas import tpu_sc as plsc

F32 = jnp.float32
I32 = jnp.int32

B, N, T, E = 8, 50000, 12, 800000
HORIZON = 12

NSC = 2
NTILE = 16
NW = NSC * NTILE
ER = E // 128
CHS = 196
NP = 50176
RPS = NP // NTILE

_mesh = plsc.VectorSubcoreMesh(core_axis_name="c", subcore_axis_name="s")
_sc_params = pltpu.CompilerParams(use_tc_tiling_on_sc=False)


def _worker_span(wid):
    start = wid * ER // NW
    nrows = (wid + 1) * ER // NW - start
    return start, nrows



EB = 131072
EGRID = -(-E // EB)


def _split_body(idx_ref, row_ref, col_ref):
    row_ref[...] = idx_ref[0]
    col_ref[...] = idx_ref[1]


_split = pl.pallas_call(
    _split_body,
    grid=(EGRID,),
    in_specs=[pl.BlockSpec((2, EB), lambda i: (0, i))],
    out_specs=[
        pl.BlockSpec((EB,), lambda i: (i,)),
        pl.BlockSpec((EB,), lambda i: (i,)),
    ],
    out_shape=(
        jax.ShapeDtypeStruct((E,), I32),
        jax.ShapeDtypeStruct((E,), I32),
    ),
)

@functools.partial(
    pl.kernel,
    out_type=(
        jax.ShapeDtypeStruct((NP,), F32),
        jax.ShapeDtypeStruct((NP,), F32),
        jax.ShapeDtypeStruct((NP,), F32),
        jax.ShapeDtypeStruct((NP,), F32),
    ),
    mesh=_mesh,
    scratch_types=[
        pltpu.VMEM((CHS * 128,), I32),
        pltpu.VMEM((CHS * 128,), I32),
        pltpu.VMEM((CHS * 128,), F32),
        pltpu.VMEM((128,), F32),
        pltpu.VMEM((RPS,), F32),
        pltpu.VMEM_SHARED((NP,), F32),
        pltpu.VMEM_SHARED((NP,), F32),
        pltpu.SemaphoreType.DMA,
        pltpu.SemaphoreType.DMA,
    ],
    compiler_params=_sc_params,
)
def _degrees(row1, col1, w1, ones_h, z1_h, degw0, degw1, cnt0, cnt1,
             rowb, colb, wb, onesv, bounce, degw_s, cnt_s, sma, smb):
    cid = lax.axis_index("c")
    sid = lax.axis_index("s")
    wid = sid * NSC + cid
    off = sid * RPS
    pltpu.sync_copy(z1_h, bounce)
    pltpu.sync_copy(bounce, degw_s.at[pl.ds(off, RPS)])
    pltpu.sync_copy(bounce, cnt_s.at[pl.ds(off, RPS)])
    pltpu.sync_copy(ones_h, onesv)
    start, nrows = _worker_span(wid)
    pltpu.sync_copy(row1.at[pl.ds(start * 128, CHS * 128)], rowb)
    pltpu.sync_copy(col1.at[pl.ds(start * 128, CHS * 128)], colb)
    pltpu.sync_copy(w1.at[pl.ds(start * 128, CHS * 128)], wb)
    plsc.subcore_barrier()

    pltpu.async_copy(wb.at[pl.ds(0, 128)],
                     degw_s.at[rowb.at[pl.ds(0, 128)]], sma, add=True)
    pltpu.async_copy(onesv, cnt_s.at[colb.at[pl.ds(0, 128)]], smb, add=True)

    def body(j, carry):
        @pl.when(j + 1 < nrows)
        def _():
            pltpu.async_copy(wb.at[pl.ds((j + 1) * 128, 128)],
                             degw_s.at[rowb.at[pl.ds((j + 1) * 128, 128)]],
                             sma, add=True)
            pltpu.async_copy(onesv,
                             cnt_s.at[colb.at[pl.ds((j + 1) * 128, 128)]],
                             smb, add=True)

        pltpu.make_async_copy(wb.at[pl.ds(j * 128, 128)],
                              degw_s.at[rowb.at[pl.ds(j * 128, 128)]],
                              sma).wait()
        pltpu.make_async_copy(onesv,
                              cnt_s.at[colb.at[pl.ds(j * 128, 128)]],
                              smb).wait()
        return carry

    lax.fori_loop(0, nrows, body, 0)
    plsc.subcore_barrier()
    pltpu.sync_copy(degw_s.at[pl.ds(off, RPS)], bounce)

    @pl.when(cid == 0)
    def _():
        pltpu.sync_copy(bounce, degw0.at[pl.ds(off, RPS)])

    @pl.when(cid == 1)
    def _():
        pltpu.sync_copy(bounce, degw1.at[pl.ds(off, RPS)])

    pltpu.sync_copy(cnt_s.at[pl.ds(off, RPS)], bounce)

    @pl.when(cid == 0)
    def _():
        pltpu.sync_copy(bounce, cnt0.at[pl.ds(off, RPS)])

    @pl.when(cid == 1)
    def _():
        pltpu.sync_copy(bounce, cnt1.at[pl.ds(off, RPS)])


NB = 7168
GRID_N = NP // NB


def _xmean_body(x_ref, xm_ref):
    xm_ref[...] = jnp.sum(x_ref[...], axis=0) * (1.0 / T)


_xmean = pl.pallas_call(
    _xmean_body,
    grid=(GRID_N,),
    in_specs=[pl.BlockSpec((T, B, NB), lambda i: (0, 0, i))],
    out_specs=pl.BlockSpec((B, NB), lambda i: (0, i)),
    out_shape=jax.ShapeDtypeStruct((B, NP), F32),
)


def _scale_body(xm_ref, dwa, dwb, ca, cb, xs_ref, dinv_ref):
    iso = 1.0 / (dwa[...] + dwb[...] + 1e-3)
    dinv = lax.rsqrt(ca[...] + cb[...] + 1.0)
    dinv_ref[...] = dinv
    xs_ref[...] = xm_ref[...] * (iso * dinv)[None, :]


_scale = pl.pallas_call(
    _scale_body,
    grid=(GRID_N,),
    in_specs=[pl.BlockSpec((B, NB), lambda i: (0, i))]
    + [pl.BlockSpec((NB,), lambda i: (i,))] * 4,
    out_specs=[
        pl.BlockSpec((B, NB), lambda i: (0, i)),
        pl.BlockSpec((NB,), lambda i: (i,)),
    ],
    out_shape=(
        jax.ShapeDtypeStruct((B, NP), F32),
        jax.ShapeDtypeStruct((NP,), F32),
    ),
)


@functools.partial(
    pl.kernel,
    out_type=(
        jax.ShapeDtypeStruct((NP, B), F32),
        jax.ShapeDtypeStruct((NP, B), F32),
    ),
    mesh=_mesh,
    scratch_types=[
        pltpu.VMEM((CHS * 128,), I32),
        pltpu.VMEM((CHS * 128,), I32),
        pltpu.VMEM((RPS, B), F32),
    ] + [pltpu.VMEM((128, B), F32)] * 4
    + [pltpu.VMEM_SHARED((NP, B), F32),
        pltpu.VMEM_SHARED((NP, B), F32),
    ] + [pltpu.SemaphoreType.DMA] * 8,
    compiler_params=_sc_params,
)
def _edgepass(row1, col1, g_h, z8_h, acc0, acc1,
              rowb, colb, gbuf, g0, g1, g2, g3,
              g_s, acc_s, *sems):
    cid = lax.axis_index("c")
    sid = lax.axis_index("s")
    wid = sid * NSC + cid
    off = sid * RPS
    start, nrows = _worker_span(wid)
    pltpu.sync_copy(row1.at[pl.ds(start * 128, CHS * 128)], rowb)
    pltpu.sync_copy(col1.at[pl.ds(start * 128, CHS * 128)], colb)
    pltpu.sync_copy(g_h.at[pl.ds(off, RPS)], gbuf)
    pltpu.sync_copy(gbuf, g_s.at[pl.ds(off, RPS)])

    @pl.when(cid == 0)
    def _():
        pltpu.sync_copy(gbuf, acc_s.at[pl.ds(off, RPS)])

    @pl.when(cid == 1)
    def _():
        pltpu.sync_copy(z8_h, gbuf)
        pltpu.sync_copy(gbuf, acc_s.at[pl.ds(off, RPS)])

    plsc.subcore_barrier()

    gbufs = (g0, g1, g2, g3)
    sg = sems[:4]
    ss = sems[4:]
    NBUF = 4
    for i in range(NBUF):
        pltpu.async_copy(g_s.at[rowb.at[pl.ds(i * 128, 128)]], gbufs[i],
                         sg[i])

    def obody(k, carry):
        j = k * NBUF
        for i in range(NBUF):
            pltpu.make_async_copy(
                g_s.at[rowb.at[pl.ds((j + i) * 128, 128)]], gbufs[i],
                sg[i]).wait()
            pltpu.async_copy(
                gbufs[i], acc_s.at[colb.at[pl.ds((j + i) * 128, 128)]],
                ss[i], add=True)
        for i in range(NBUF):
            pltpu.make_async_copy(
                gbufs[i], acc_s.at[colb.at[pl.ds((j + i) * 128, 128)]],
                ss[i]).wait()
            jn = j + NBUF + i

            @pl.when(jn < nrows)
            def _(jn=jn, i=i):
                pltpu.async_copy(
                    g_s.at[rowb.at[pl.ds(jn * 128, 128)]], gbufs[i], sg[i])
        return carry

    lax.fori_loop(0, nrows // NBUF, obody, 0)

    tbase = nrows // NBUF * NBUF
    for i in range(NBUF - 1):
        jt = tbase + i

        @pl.when(jt < nrows)
        def _(jt=jt, i=i):
            pltpu.make_async_copy(
                g_s.at[rowb.at[pl.ds(jt * 128, 128)]], gbufs[i],
                sg[i]).wait()
            pltpu.sync_copy(
                gbufs[i], acc_s.at[colb.at[pl.ds(jt * 128, 128)]], add=True)
    plsc.subcore_barrier()
    pltpu.sync_copy(acc_s.at[pl.ds(off, RPS)], gbuf)

    @pl.when(cid == 0)
    def _():
        pltpu.sync_copy(gbuf, acc0.at[pl.ds(off, RPS)])

    @pl.when(cid == 1)
    def _():
        pltpu.sync_copy(gbuf, acc1.at[pl.ds(off, RPS)])


def _fin_body(ta, tb, dinv_ref, w_ref, b_ref, pw_ref, pb_ref, *out_refs):
    t8 = ta[...] + tb[...]
    eye = jnp.eye(B, dtype=F32)
    tt = lax.dot_general(eye, t8, (((1,), (1,)), ((), ())),
                         preferred_element_type=F32)
    tt = tt * dinv_ref[...][None, :]
    v = jnp.dot(w_ref[0, :], pw_ref[...], preferred_element_type=F32)
    c = jnp.dot(b_ref[...], pw_ref[...], preferred_element_type=F32) + pb_ref[...]
    for h in range(HORIZON):
        out_refs[h][...] = tt * v[h] + c[h]


_fin = pl.pallas_call(
    _fin_body,
    grid=(GRID_N,),
    in_specs=[
        pl.BlockSpec((NB, B), lambda i: (i, 0)),
        pl.BlockSpec((NB, B), lambda i: (i, 0)),
        pl.BlockSpec((NB,), lambda i: (i,)),
        pl.BlockSpec((1, 64), lambda i: (0, 0)),
        pl.BlockSpec((64,), lambda i: (0,)),
        pl.BlockSpec((64, HORIZON), lambda i: (0, 0)),
        pl.BlockSpec((HORIZON,), lambda i: (0,)),
    ],
    out_specs=[pl.BlockSpec((B, NB), lambda i: (0, i))] * HORIZON,
    out_shape=tuple(jax.ShapeDtypeStruct((B, NP), F32)
                    for _ in range(HORIZON)),
)


def kernel(x, edge_index, edge_weight, W, b, proj_W, proj_b):
    xt = jnp.transpose(x.reshape(B, N, T), (2, 0, 1))
    row1, col1 = _split(edge_index)
    ones_h = jnp.ones((128,), F32)
    z1 = jnp.zeros((RPS,), F32)
    z8 = jnp.zeros((RPS, B), F32)
    degw0, degw1, cnt0, cnt1 = _degrees(row1, col1, edge_weight, ones_h, z1)
    xm = _xmean(xt)
    xs, dinv = _scale(xm, degw0, degw1, cnt0, cnt1)
    g = jnp.transpose(xs)
    acc0, acc1 = _edgepass(row1, col1, g, z8)
    planes = _fin(acc0, acc1, dinv, W, b, proj_W, proj_b)
    return jnp.stack([p[:, :N] for p in planes], axis=-1)

# --- scband reference (transcript-rebuilt; emitter-appended) ---
"""Pipeline reference for scband-isolated-node-expert-58308476011148 (READ-ONLY COPY).

The authoritative reference and input builder live on the scoring server;
editing this copy changes nothing except your own understanding.
"""

import jax, jax.numpy as jnp
import numpy as np

B, N, T, E = 8, 50000, 12, 800000
HIDDEN, HORIZON = 64, 12


def setup_inputs(seed: int = 0) -> dict:
    key = jax.random.key(seed)
    k1, k2, k3, k4, k5 = jax.random.split(key, 5)
    x = jax.random.normal(k1, (B, N, T, 1), dtype=jnp.float32)
    edge_index = jax.random.randint(k2, (2, E), 0, N, dtype=jnp.int32)
    edge_weight = jax.random.uniform(k3, (E,), dtype=jnp.float32)
    # GCNConv(1, hidden): lin weight [in=1, hidden] (lin has no bias; separate bias added post-aggregation)
    W = jax.random.normal(k4, (1, HIDDEN), dtype=jnp.float32) * (1.0 / np.sqrt(1.0))
    b = jnp.zeros((HIDDEN,), dtype=jnp.float32)
    # proj: Linear(hidden, horizon)
    proj_W = jax.random.normal(k5, (HIDDEN, HORIZON), dtype=jnp.float32) / np.sqrt(HIDDEN)
    proj_b = jnp.zeros((HORIZON,), dtype=jnp.float32)
    return {"x": x, "edge_index": edge_index, "edge_weight": edge_weight,
            "W": W, "b": b, "proj_W": proj_W, "proj_b": proj_b}


def reference(x, edge_index, edge_weight, W, b, proj_W, proj_b):
    n = x.shape[1]
    row = edge_index[0]
    col = edge_index[1]
    # __init__: iso_score = 1 / (bincount(edge_index[0], weights=edge_weight, minlength=N) + 1e-3)
    deg_w = jax.ops.segment_sum(edge_weight, row, num_segments=n)
    iso_score = 1.0 / (deg_w + 0.001)
    # forward: x_mean = x.mean(dim=2).squeeze(-1) -> [B, N]
    x_mean = jnp.mean(x, axis=2)[..., 0]
    x_weighted = x_mean * iso_score[None, :]
    # GCNConv on [N,1] features, default edge_weight=None -> ones, add self loops, sym norm
    self_loop = jnp.arange(n, dtype=row.dtype)
    src = jnp.concatenate([row, self_loop])
    dst = jnp.concatenate([col, self_loop])
    ew = jnp.ones((src.shape[0],), dtype=x.dtype)
    deg = jax.ops.segment_sum(ew, dst, num_segments=n)
    dinv = jnp.where(deg > 0, deg ** -0.5, 0.0)
    norm = dinv[src] * dinv[dst]
    # lin: [B,N,1] @ [1,H] == outer product with W[0]
    h = x_weighted[:, :, None] * W[0][None, None, :]          # [B, N, H]
    msg = jnp.take(h, src, axis=1) * norm[None, :, None]      # gather + scale  [B, E+N, H]
    agg = jnp.zeros_like(h).at[:, dst, :].add(msg)            # scatter-add by dst
    agg = agg + b[None, None, :]
    # proj(out): [B, N, horizon]
    out = agg @ proj_W + proj_b[None, None, :]
    return out

if __name__ == "__main__":
    import jax
    _d = setup_inputs()
    print(jax.jit(kernel)(*tuple(_d.values())))

</pallas_src>

<mosaic_0001>
#map = affine_map<(d0, d1) -> (0)>
#map1 = affine_map<(d0, d1) -> (0, 0)>
module attributes {stable_mosaic.version = 14 : i64} {
  func.func @_edgepass(%arg0: i32, %arg1: i32, %arg2: memref<800000xi32, #tpu.memory_space<hbm>>, %arg3: memref<800000xi32, #tpu.memory_space<hbm>>, %arg4: memref<50176x8xf32, #tpu.memory_space<hbm>>, %arg5: memref<3136x8xf32, #tpu.memory_space<hbm>>, %arg6: memref<50176x8xf32, #tpu.memory_space<hbm>>, %arg7: memref<50176x8xf32, #tpu.memory_space<hbm>>, %arg8: memref<25088xi32, #tpu.memory_space<vmem>>, %arg9: memref<25088xi32, #tpu.memory_space<vmem>>, %arg10: memref<3136x8xf32, #tpu.memory_space<vmem>>, %arg11: memref<128x8xf32, #tpu.memory_space<vmem>>, %arg12: memref<128x8xf32, #tpu.memory_space<vmem>>, %arg13: memref<128x8xf32, #tpu.memory_space<vmem>>, %arg14: memref<128x8xf32, #tpu.memory_space<vmem>>, %arg15: memref<50176x8xf32, #tpu.memory_space<vmem_shared>>, %arg16: memref<50176x8xf32, #tpu.memory_space<vmem_shared>>, %arg17: memref<!tpu.dma_semaphore, #tpu.memory_space<semaphore_mem>>, %arg18: memref<!tpu.dma_semaphore, #tpu.memory_space<semaphore_mem>>, %arg19: memref<!tpu.dma_semaphore, #tpu.memory_space<semaphore_mem>>, %arg20: memref<!tpu.dma_semaphore, #tpu.memory_space<semaphore_mem>>, %arg21: memref<!tpu.dma_semaphore, #tpu.memory_space<semaphore_mem>>, %arg22: memref<!tpu.dma_semaphore, #tpu.memory_space<semaphore_mem>>, %arg23: memref<!tpu.dma_semaphore, #tpu.memory_space<semaphore_mem>>, %arg24: memref<!tpu.dma_semaphore, #tpu.memory_space<semaphore_mem>>) attributes {dimension_semantics = [#tpu.dimension_semantics<core_parallel>, #tpu.dimension_semantics<subcore_parallel>], iteration_bounds = array<i64: 2, 16>, scalar_prefetch = 0 : i64, scratch_operands = 17 : i64, tpu.core_type = #tpu.core_type<sc_vector_subcore>, window_params = [{transform_indices = #map}, {transform_indices = #map}, {transform_indices = #map1}, {transform_indices = #map1}, {transform_indices = #map1}, {transform_indices = #map1}]} {
    %mul3A = arith.constant 2 : i32
    %mul3A_0 = arith.muli %arg1, %mul3A : i32
    %add3A = arith.addi %mul3A_0, %arg0 : i32
    %mul3A_1 = arith.constant 3136 : i32
    %mul3A_2 = arith.muli %arg1, %mul3A_1 : i32
    %mul3A_3 = arith.constant 6250 : i32
    %mul3A_4 = arith.muli %add3A, %mul3A_3 : i32
    %jit3A = arith.constant 32 : i32
    %div3A = arith.divsi %mul3A_4, %jit3A : i32
    %sign3A = arith.constant 0 : i32
    %sign3A_5 = arith.cmpi sgt, %mul3A_4, %sign3A : i32
    %sign3A_6 = arith.extui %sign3A_5 : i1 to i32
    %sign3A_7 = arith.constant 0 : i32
    %sign3A_8 = arith.cmpi slt, %mul3A_4, %sign3A_7 : i32
    %sign3A_9 = arith.extui %sign3A_8 : i1 to i32
    %sign3A_10 = arith.subi %sign3A_6, %sign3A_9 : i32
    %sign3A_11 = arith.constant 0 : i32
    %sign3A_12 = arith.cmpi sgt, %jit3A, %sign3A_11 : i32
    %sign3A_13 = arith.extui %sign3A_12 : i1 to i32
    %sign3A_14 = arith.constant 0 : i32
    %sign3A_15 = arith.cmpi slt, %jit3A, %sign3A_14 : i32
    %sign3A_16 = arith.extui %sign3A_15 : i1 to i32
    %sign3A_17 = arith.subi %sign3A_13, %sign3A_16 : i32
    %ne3A = arith.cmpi ne, %sign3A_10, %sign3A_17 : i32
    %rem3A = arith.remsi %mul3A_4, %jit3A : i32
    %ne3A_18 = arith.constant 0 : i32
    %ne3A_19 = arith.cmpi ne, %rem3A, %ne3A_18 : i32
    %and3A = arith.andi %ne3A, %ne3A_19 : i1
    %sub3A = arith.constant 1 : i32
    %sub3A_20 = arith.subi %div3A, %sub3A : i32
    %select_n3A = arith.select %and3A, %sub3A_20, %div3A : i32
    %add3A_21 = arith.constant 1 : i32
    %add3A_22 = arith.addi %add3A, %add3A_21 : i32
    %mul3A_23 = arith.constant 6250 : i32
    %mul3A_24 = arith.muli %add3A_22, %mul3A_23 : i32
    %jit3A_25 = arith.constant 32 : i32
    %div3A_26 = arith.divsi %mul3A_24, %jit3A_25 : i32
    %sign3A_27 = arith.constant 0 : i32
    %sign3A_28 = arith.cmpi sgt, %mul3A_24, %sign3A_27 : i32
    %sign3A_29 = arith.extui %sign3A_28 : i1 to i32
    %sign3A_30 = arith.constant 0 : i32
    %sign3A_31 = arith.cmpi slt, %mul3A_24, %sign3A_30 : i32
    %sign3A_32 = arith.extui %sign3A_31 : i1 to i32
    %sign3A_33 = arith.subi %sign3A_29, %sign3A_32 : i32
    %sign3A_34 = arith.constant 0 : i32
    %sign3A_35 = arith.cmpi sgt, %jit3A_25, %sign3A_34 : i32
    %sign3A_36 = arith.extui %sign3A_35 : i1 to i32
    %sign3A_37 = arith.constant 0 : i32
    %sign3A_38 = arith.cmpi slt, %jit3A_25, %sign3A_37 : i32
    %sign3A_39 = arith.extui %sign3A_38 : i1 to i32
    %sign3A_40 = arith.subi %sign3A_36, %sign3A_39 : i32
    %ne3A_41 = arith.cmpi ne, %sign3A_33, %sign3A_40 : i32
    %rem3A_42 = arith.remsi %mul3A_24, %jit3A_25 : i32
    %ne3A_43 = arith.constant 0 : i32
    %ne3A_44 = arith.cmpi ne, %rem3A_42, %ne3A_43 : i32
    %and3A_45 = arith.andi %ne3A_41, %ne3A_44 : i1
    %sub3A_46 = arith.constant 1 : i32
    %sub3A_47 = arith.subi %div3A_26, %sub3A_46 : i32
    %select_n3A_48 = arith.select %and3A_45, %sub3A_47, %div3A_26 : i32
    %sub3A_49 = arith.subi %select_n3A_48, %select_n3A : i32
    %mul3A_50 = arith.constant 128 : i32
    %mul3A_51 = arith.muli %select_n3A, %mul3A_50 : i32
    "tpu.region"() ({
      %run_scoped3A = tpu.sem_alloc : memref<!tpu.dma_semaphore, #tpu.memory_space<semaphore_mem>>
      %dma_start3A_167 = tpu.memref_slice %arg2[%mul3A_51] : memref<800000xi32, #tpu.memory_space<hbm>> -> memref<25088xi32, #tpu.memory_space<hbm>>
      %dma_start3A_168 = tpu.memref_slice %arg2[%mul3A_51] : memref<800000xi32, #tpu.memory_space<hbm>> -> memref<25088xi32, #tpu.memory_space<hbm>>
      tpu.enqueue_dma source(%dma_start3A_168 : memref<25088xi32, #tpu.memory_space<hbm>>) target(%arg8 : memref<25088xi32, #tpu.memory_space<vmem>>) target_semaphore(%run_scoped3A : memref<!tpu.dma_semaphore, #tpu.memory_space<semaphore_mem>>)
      %dma_wait3A = tpu.memref_slice %arg2[%mul3A_51] : memref<800000xi32, #tpu.memory_space<hbm>> -> memref<25088xi32, #tpu.memory_space<hbm>>
      %dma_wait3A_169 = tpu.memref_slice %arg2[%mul3A_51] : memref<800000xi32, #tpu.memory_space<hbm>> -> memref<25088xi32, #tpu.memory_space<hbm>>
      tpu.wait_dma2 semaphore(%run_scoped3A : memref<!tpu.dma_semaphore, #tpu.memory_space<semaphore_mem>>) src(%dma_wait3A_169 : memref<25088xi32, #tpu.memory_space<hbm>>) dst(%arg8 : memref<25088xi32, #tpu.memory_space<vmem>>)
      tpu.yield
    }) : () -> ()
    %mul3A_52 = arith.constant 128 : i32
    %mul3A_53 = arith.muli %select_n3A, %mul3A_52 : i32
    "tpu.region"() ({
      %run_scoped3A = tpu.sem_alloc : memref<!tpu.dma_semaphore, #tpu.memory_space<semaphore_mem>>
      %dma_start3A_167 = tpu.memref_slice %arg3[%mul3A_53] : memref<800000xi32, #tpu.memory_space<hbm>> -> memref<25088xi32, #tpu.memory_space<hbm>>
      %dma_start3A_168 = tpu.memref_slice %arg3[%mul3A_53] : memref<800000xi32, #tpu.memory_space<hbm>> -> memref<25088xi32, #tpu.memory_space<hbm>>
      tpu.enqueue_dma source(%dma_start3A_168 : memref<25088xi32, #tpu.memory_space<hbm>>) target(%arg9 : memref<25088xi32, #tpu.memory_space<vmem>>) target_semaphore(%run_scoped3A : memref<!tpu.dma_semaphore, #tpu.memory_space<semaphore_mem>>)
      %dma_wait3A = tpu.memref_slice %arg3[%mul3A_53] : memref<800000xi32, #tpu.memory_space<hbm>> -> memref<25088xi32, #tpu.memory_space<hbm>>
      %dma_wait3A_169 = tpu.memref_slice %arg3[%mul3A_53] : memref<800000xi32, #tpu.memory_space<hbm>> -> memref<25088xi32, #tpu.memory_space<hbm>>
      tpu.wait_dma2 semaphore(%run_scoped3A : memref<!tpu.dma_semaphore, #tpu.memory_space<semaphore_mem>>) src(%dma_wait3A_169 : memref<25088xi32, #tpu.memory_space<hbm>>) dst(%arg9 : memref<25088xi32, #tpu.memory_space<vmem>>)
      tpu.yield
    }) : () -> ()
    "tpu.region"() ({
      %run_scoped3A = tpu.sem_alloc : memref<!tpu.dma_semaphore, #tpu.memory_space<semaphore_mem>>
      %dma_start3A_167 = arith.constant 0 : i32
      %dma_start3A_168 = tpu.memref_slice %arg4[%mul3A_2, %dma_start3A_167] : memref<50176x8xf32, #tpu.memory_space<hbm>> -> memref<3136x8xf32, #tpu.memory_space<hbm>>
      %dma_start3A_169 = arith.constant 0 : i32
      %dma_start3A_170 = tpu.memref_slice %arg4[%mul3A_2, %dma_start3A_169] : memref<50176x8xf32, #tpu.memory_space<hbm>> -> memref<3136x8xf32, #tpu.memory_space<hbm>>
      tpu.enqueue_dma source(%dma_start3A_170 : memref<3136x8xf32, #tpu.memory_space<hbm>>) target(%arg10 : memref<3136x8xf32, #tpu.memory_space<vmem>>) target_semaphore(%run_scoped3A : memref<!tpu.dma_semaphore, #tpu.memory_space<semaphore_mem>>)
      %dma_wait3A = arith.constant 0 : i32
      %dma_wait3A_171 = tpu.memref_slice %arg4[%mul3A_2, %dma_wait3A] : memref<50176x8xf32, #tpu.memory_space<hbm>> -> memref<3136x8xf32, #tpu.memory_space<hbm>>
      %dma_wait3A_172 = arith.constant 0 : i32
      %dma_wait3A_173 = tpu.memref_slice %arg4[%mul3A_2, %dma_wait3A_172] : memref<50176x8xf32, #tpu.memory_space<hbm>> -> memref<3136x8xf32, #tpu.memory_space<hbm>>
      tpu.wait_dma2 semaphore(%run_scoped3A : memref<!tpu.dma_semaphore, #tpu.memory_space<semaphore_mem>>) src(%dma_wait3A_173 : memref<3136x8xf32, #tpu.memory_space<hbm>>) dst(%arg10 : memref<3136x8xf32, #tpu.memory_space<vmem>>)
      tpu.yield
    }) : () -> ()
    "tpu.region"() ({
      %run_scoped3A = tpu.sem_alloc : memref<!tpu.dma_semaphore, #tpu.memory_space<semaphore_mem>>
      %dma_start3A_167 = arith.constant 0 : i32
      %dma_start3A_168 = tpu.memref_slice %arg15[%mul3A_2, %dma_start3A_167] : memref<50176x8xf32, #tpu.memory_space<vmem_shared>> -> memref<3136x8xf32, #tpu.memory_space<vmem_shared>>
      %dma_start3A_169 = arith.constant 0 : i32
      %dma_start3A_170 = tpu.memref_slice %arg15[%mul3A_2, %dma_start3A_169] : memref<50176x8xf32, #tpu.memory_space<vmem_shared>> -> memref<3136x8xf32, #tpu.memory_space<vmem_shared>>
      tpu.enqueue_dma source(%arg10 : memref<3136x8xf32, #tpu.memory_space<vmem>>) target(%dma_start3A_170 : memref<3136x8xf32, #tpu.memory_space<vmem_shared>>) target_semaphore(%run_scoped3A : memref<!tpu.dma_semaphore, #tpu.memory_space<semaphore_mem>>)
      %dma_wait3A = arith.constant 0 : i32
      %dma_wait3A_171 = tpu.memref_slice %arg15[%mul3A_2, %dma_wait3A] : memref<50176x8xf32, #tpu.memory_space<vmem_shared>> -> memref<3136x8xf32, #tpu.memory_space<vmem_shared>>
      %dma_wait3A_172 = arith.constant 0 : i32
      %dma_wait3A_173 = tpu.memref_slice %arg15[%mul3A_2, %dma_wait3A_172] : memref<50176x8xf32, #tpu.memory_space<vmem_shared>> -> memref<3136x8xf32, #tpu.memory_space<vmem_shared>>
      tpu.wait_dma2 semaphore(%run_scoped3A : memref<!tpu.dma_semaphore, #tpu.memory_space<semaphore_mem>>) src(%arg10 : memref<3136x8xf32, #tpu.memory_space<vmem>>) dst(%dma_wait3A_173 : memref<3136x8xf32, #tpu.memory_space<vmem_shared>>)
      tpu.yield
    }) : () -> ()
    %eq3A = arith.constant 0 : i32
    %eq3A_54 = arith.cmpi eq, %arg0, %eq3A : i32
    %convert_element_type3A = arith.extui %eq3A_54 : i1 to i32
    %cond3A = arith.constant 0 : i32
    %cond3A_55 = arith.cmpi ne, %convert_element_type3A, %cond3A : i32
    scf.if %cond3A_55 {
      "tpu.region"() ({
        %run_scoped3A = tpu.sem_alloc : memref<!tpu.dma_semaphore, #tpu.memory_space<semaphore_mem>>
        %dma_start3A_167 = arith.constant 0 : i32
        %dma_start3A_168 = tpu.memref_slice %arg16[%mul3A_2, %dma_start3A_167] : memref<50176x8xf32, #tpu.memory_space<vmem_shared>> -> memref<3136x8xf32, #tpu.memory_space<vmem_shared>>
        %dma_start3A_169 = arith.constant 0 : i32
        %dma_start3A_170 = tpu.memref_slice %arg16[%mul3A_2, %dma_start3A_169] : memref<50176x8xf32, #tpu.memory_space<vmem_shared>> -> memref<3136x8xf32, #tpu.memory_space<vmem_shared>>
        tpu.enqueue_dma source(%arg10 : memref<3136x8xf32, #tpu.memory_space<vmem>>) target(%dma_start3A_170 : memref<3136x8xf32, #tpu.memory_space<vmem_shared>>) target_semaphore(%run_scoped3A : memref<!tpu.dma_semaphore, #tpu.memory_space<semaphore_mem>>)
        %dma_wait3A = arith.constant 0 : i32
        %dma_wait3A_171 = tpu.memref_slice %arg16[%mul3A_2, %dma_wait3A] : memref<50176x8xf32, #tpu.memory_space<vmem_shared>> -> memref<3136x8xf32, #tpu.memory_space<vmem_shared>>
        %dma_wait3A_172 = arith.constant 0 : i32
        %dma_wait3A_173 = tpu.memref_slice %arg16[%mul3A_2, %dma_wait3A_172] : memref<50176x8xf32, #tpu.memory_space<vmem_shared>> -> memref<3136x8xf32, #tpu.memory_space<vmem_shared>>
        tpu.wait_dma2 semaphore(%run_scoped3A : memref<!tpu.dma_semaphore, #tpu.memory_space<semaphore_mem>>) src(%arg10 : memref<3136x8xf32, #tpu.memory_space<vmem>>) dst(%dma_wait3A_173 : memref<3136x8xf32, #tpu.memory_space<vmem_shared>>)
        tpu.yield
      }) : () -> ()
    } else {
    }
    %eq3A_56 = arith.constant 1 : i32
    %eq3A_57 = arith.cmpi eq, %arg0, %eq3A_56 : i32
    %convert_element_type3A_58 = arith.extui %eq3A_57 : i1 to i32
    %cond3A_59 = arith.constant 0 : i32
    %cond3A_60 = arith.cmpi ne, %convert_element_type3A_58, %cond3A_59 : i32
    scf.if %cond3A_60 {
      "tpu.region"() ({
        %run_scoped3A = tpu.sem_alloc : memref<!tpu.dma_semaphore, #tpu.memory_space<semaphore_mem>>
        tpu.enqueue_dma source(%arg5 : memref<3136x8xf32, #tpu.memory_space<hbm>>) target(%arg10 : memref<3136x8xf32, #tpu.memory_space<vmem>>) target_semaphore(%run_scoped3A : memref<!tpu.dma_semaphore, #tpu.memory_space<semaphore_mem>>)
        tpu.wait_dma2 semaphore(%run_scoped3A : memref<!tpu.dma_semaphore, #tpu.memory_space<semaphore_mem>>) src(%arg5 : memref<3136x8xf32, #tpu.memory_space<hbm>>) dst(%arg10 : memref<3136x8xf32, #tpu.memory_space<vmem>>)
        tpu.yield
      }) : () -> ()
      "tpu.region"() ({
        %run_scoped3A = tpu.sem_alloc : memref<!tpu.dma_semaphore, #tpu.memory_space<semaphore_mem>>
        %dma_start3A_167 = arith.constant 0 : i32
        %dma_start3A_168 = tpu.memref_slice %arg16[%mul3A_2, %dma_start3A_167] : memref<50176x8xf32, #tpu.memory_space<vmem_shared>> -> memref<3136x8xf32, #tpu.memory_space<vmem_shared>>
        %dma_start3A_169 = arith.constant 0 : i32
        %dma_start3A_170 = tpu.memref_slice %arg16[%mul3A_2, %dma_start3A_169] : memref<50176x8xf32, #tpu.memory_space<vmem_shared>> -> memref<3136x8xf32, #tpu.memory_space<vmem_shared>>
        tpu.enqueue_dma source(%arg10 : memref<3136x8xf32, #tpu.memory_space<vmem>>) target(%dma_start3A_170 : memref<3136x8xf32, #tpu.memory_space<vmem_shared>>) target_semaphore(%run_scoped3A : memref<!tpu.dma_semaphore, #tpu.memory_space<semaphore_mem>>)
        %dma_wait3A = arith.constant 0 : i32
        %dma_wait3A_171 = tpu.memref_slice %arg16[%mul3A_2, %dma_wait3A] : memref<50176x8xf32, #tpu.memory_space<vmem_shared>> -> memref<3136x8xf32, #tpu.memory_space<vmem_shared>>
        %dma_wait3A_172 = arith.constant 0 : i32
        %dma_wait3A_173 = tpu.memref_slice %arg16[%mul3A_2, %dma_wait3A_172] : memref<50176x8xf32, #tpu.memory_space<vmem_shared>> -> memref<3136x8xf32, #tpu.memory_space<vmem_shared>>
        tpu.wait_dma2 semaphore(%run_scoped3A : memref<!tpu.dma_semaphore, #tpu.memory_space<semaphore_mem>>) src(%arg10 : memref<3136x8xf32, #tpu.memory_space<vmem>>) dst(%dma_wait3A_173 : memref<3136x8xf32, #tpu.memory_space<vmem_shared>>)
        tpu.yield
      }) : () -> ()
    } else {
    }
    %barrier3A = arith.constant 0 : index
    tpu.barrier barrier_id(%barrier3A)
    %dma_start3A = arith.constant 0 : i32
    %dma_start3A_61 = tpu.memref_slice %arg8[%dma_start3A] : memref<25088xi32, #tpu.memory_space<vmem>> -> memref<128xi32, #tpu.memory_space<vmem>>
    %dma_start3A_62 = arith.constant 0 : i32
    %dma_start3A_63 = arith.constant 0 : i32
    %dma_start3A_64 = tpu.memref_slice %arg15[%dma_start3A_62, %dma_start3A_63] : memref<50176x8xf32, #tpu.memory_space<vmem_shared>> -> memref<50176x8xf32, #tpu.memory_space<vmem_shared>>
    tpu.enqueue_indirect_dma source(%dma_start3A_64 : memref<50176x8xf32, #tpu.memory_space<vmem_shared>>) target(%arg11 : memref<128x8xf32, #tpu.memory_space<vmem>>) offsets(%dma_start3A_61 : memref<128xi32, #tpu.memory_space<vmem>>) semaphore(%arg17 : memref<!tpu.dma_semaphore, #tpu.memory_space<semaphore_mem>>)
    %dma_start3A_65 = arith.constant 128 : i32
    %dma_start3A_66 = tpu.memref_slice %arg8[%dma_start3A_65] : memref<25088xi32, #tpu.memory_space<vmem>> -> memref<128xi32, #tpu.memory_space<vmem>>
    %dma_start3A_67 = arith.constant 0 : i32
    %dma_start3A_68 = arith.constant 0 : i32
    %dma_start3A_69 = tpu.memref_slice %arg15[%dma_start3A_67, %dma_start3A_68] : memref<50176x8xf32, #tpu.memory_space<vmem_shared>> -> memref<50176x8xf32, #tpu.memory_space<vmem_shared>>
    tpu.enqueue_indirect_dma source(%dma_start3A_69 : memref<50176x8xf32, #tpu.memory_space<vmem_shared>>) target(%arg12 : memref<128x8xf32, #tpu.memory_space<vmem>>) offsets(%dma_start3A_66 : memref<128xi32, #tpu.memory_space<vmem>>) semaphore(%arg18 : memref<!tpu.dma_semaphore, #tpu.memory_space<semaphore_mem>>)
    %dma_start3A_70 = arith.constant 256 : i32
    %dma_start3A_71 = tpu.memref_slice %arg8[%dma_start3A_70] : memref<25088xi32, #tpu.memory_space<vmem>> -> memref<128xi32, #tpu.memory_space<vmem>>
    %dma_start3A_72 = arith.constant 0 : i32
    %dma_start3A_73 = arith.constant 0 : i32
    %dma_start3A_74 = tpu.memref_slice %arg15[%dma_start3A_72, %dma_start3A_73] : memref<50176x8xf32, #tpu.memory_space<vmem_shared>> -> memref<50176x8xf32, #tpu.memory_space<vmem_shared>>
    tpu.enqueue_indirect_dma source(%dma_start3A_74 : memref<50176x8xf32, #tpu.memory_space<vmem_shared>>) target(%arg13 : memref<128x8xf32, #tpu.memory_space<vmem>>) offsets(%dma_start3A_71 : memref<128xi32, #tpu.memory_space<vmem>>) semaphore(%arg19 : memref<!tpu.dma_semaphore, #tpu.memory_space<semaphore_mem>>)
    %dma_start3A_75 = arith.constant 384 : i32
    %dma_start3A_76 = tpu.memref_slice %arg8[%dma_start3A_75] : memref<25088xi32, #tpu.memory_space<vmem>> -> memref<128xi32, #tpu.memory_space<vmem>>
    %dma_start3A_77 = arith.constant 0 : i32
    %dma_start3A_78 = arith.constant 0 : i32
    %dma_start3A_79 = tpu.memref_slice %arg15[%dma_start3A_77, %dma_start3A_78] : memref<50176x8xf32, #tpu.memory_space<vmem_shared>> -> memref<50176x8xf32, #tpu.memory_space<vmem_shared>>
    tpu.enqueue_indirect_dma source(%dma_start3A_79 : memref<50176x8xf32, #tpu.memory_space<vmem_shared>>) target(%arg14 : memref<128x8xf32, #tpu.memory_space<vmem>>) offsets(%dma_start3A_76 : memref<128xi32, #tpu.memory_space<vmem>>) semaphore(%arg20 : memref<!tpu.dma_semaphore, #tpu.memory_space<semaphore_mem>>)
    %jit3A_80 = arith.constant 4 : i32
    %div3A_81 = arith.divsi %sub3A_49, %jit3A_80 : i32
    %sign3A_82 = arith.constant 0 : i32
    %sign3A_83 = arith.cmpi sgt, %sub3A_49, %sign3A_82 : i32
    %sign3A_84 = arith.extui %sign3A_83 : i1 to i32
    %sign3A_85 = arith.constant 0 : i32
    %sign3A_86 = arith.cmpi slt, %sub3A_49, %sign3A_85 : i32
    %sign3A_87 = arith.extui %sign3A_86 : i1 to i32
    %sign3A_88 = arith.subi %sign3A_84, %sign3A_87 : i32
    %sign3A_89 = arith.constant 0 : i32
    %sign3A_90 = arith.cmpi sgt, %jit3A_80, %sign3A_89 : i32
    %sign3A_91 = arith.extui %sign3A_90 : i1 to i32
    %sign3A_92 = arith.constant 0 : i32
    %sign3A_93 = arith.cmpi slt, %jit3A_80, %sign3A_92 : i32
    %sign3A_94 = arith.extui %sign3A_93 : i1 to i32
    %sign3A_95 = arith.subi %sign3A_91, %sign3A_94 : i32
    %ne3A_96 = arith.cmpi ne, %sign3A_88, %sign3A_95 : i32
    %rem3A_97 = arith.remsi %sub3A_49, %jit3A_80 : i32
    %ne3A_98 = arith.constant 0 : i32
    %ne3A_99 = arith.cmpi ne, %rem3A_97, %ne3A_98 : i32
    %and3A_100 = arith.andi %ne3A_96, %ne3A_99 : i1
    %sub3A_101 = arith.constant 1 : i32
    %sub3A_102 = arith.subi %div3A_81, %sub3A_101 : i32
    %select_n3A_103 = arith.select %and3A_100, %sub3A_102, %div3A_81 : i32
    %while3A = arith.constant 0 : i32
    %while3A_104 = arith.constant 0 : i32
    %while3A_105 = arith.subi %select_n3A_103, %while3A_104 : i32
    %while3A_106 = arith.addi %while3A_104, %while3A_105 : i32
    %while3A_107 = arith.constant 1 : i32
    %while3A_108 = arith.divsi %while3A_105, %while3A_107 : i32
    %while3A_109 = arith.muli %while3A_108, %while3A_107 : i32
    %while3A_110 = arith.addi %while3A_104, %while3A_109 : i32
    %while3A_111 = arith.constant 1 : i32
    scf.for %while3A_167 = %while3A_104 to %while3A_110 step %while3A_111  : i32 {
      %mul3A_168 = arith.constant 4 : i32
      %mul3A_169 = arith.muli %while3A_167, %mul3A_168 : i32
      %add3A_170 = arith.constant 0 : i32
      %add3A_171 = arith.addi %mul3A_169, %add3A_170 : i32
      %mul3A_172 = arith.constant 128 : i32
      %mul3A_173 = arith.muli %add3A_171, %mul3A_172 : i32
      %dma_wait3A = tpu.memref_slice %arg8[%mul3A_173] : memref<25088xi32, #tpu.memory_space<vmem>> -> memref<128xi32, #tpu.memory_space<vmem>>
      %dma_wait3A_174 = arith.constant 0 : i32
      %dma_wait3A_175 = arith.constant 0 : i32
      %dma_wait3A_176 = tpu.memref_slice %arg15[%dma_wait3A_174, %dma_wait3A_175] : memref<50176x8xf32, #tpu.memory_space<vmem_shared>> -> memref<50176x8xf32, #tpu.memory_space<vmem_shared>>
      tpu.wait_indirect_dma semaphore(%arg17 : memref<!tpu.dma_semaphore, #tpu.memory_space<semaphore_mem>>) src(%dma_wait3A_176 : memref<50176x8xf32, #tpu.memory_space<vmem_shared>>) dst(%arg11 : memref<128x8xf32, #tpu.memory_space<vmem>>)
      %add3A_177 = arith.constant 0 : i32
      %add3A_178 = arith.addi %mul3A_169, %add3A_177 : i32
      %mul3A_179 = arith.constant 128 : i32
      %mul3A_180 = arith.muli %add3A_178, %mul3A_179 : i32
      %dma_start3A_181 = tpu.memref_slice %arg9[%mul3A_180] : memref<25088xi32, #tpu.memory_space<vmem>> -> memref<128xi32, #tpu.memory_space<vmem>>
      %dma_start3A_182 = arith.constant 0 : i32
      %dma_start3A_183 = arith.constant 0 : i32
      %dma_start3A_184 = tpu.memref_slice %arg16[%dma_start3A_182, %dma_start3A_183] : memref<50176x8xf32, #tpu.memory_space<vmem_shared>> -> memref<50176x8xf32, #tpu.memory_space<vmem_shared>>
      tpu.enqueue_indirect_dma source(%arg11 : memref<128x8xf32, #tpu.memory_space<vmem>>) target(%dma_start3A_184 : memref<50176x8xf32, #tpu.memory_space<vmem_shared>>) offsets(%dma_start3A_181 : memref<128xi32, #tpu.memory_space<vmem>>) semaphore(%arg21 : memref<!tpu.dma_semaphore, #tpu.memory_space<semaphore_mem>>) {add = true}
      %add3A_185 = arith.constant 1 : i32
      %add3A_186 = arith.addi %mul3A_169, %add3A_185 : i32
      %mul3A_187 = arith.constant 128 : i32
      %mul3A_188 = arith.muli %add3A_186, %mul3A_187 : i32
      %dma_wait3A_189 = tpu.memref_slice %arg8[%mul3A_188] : memref<25088xi32, #tpu.memory_space<vmem>> -> memref<128xi32, #tpu.memory_space<vmem>>
      %dma_wait3A_190 = arith.constant 0 : i32
      %dma_wait3A_191 = arith.constant 0 : i32
      %dma_wait3A_192 = tpu.memref_slice %arg15[%dma_wait3A_190, %dma_wait3A_191] : memref<50176x8xf32, #tpu.memory_space<vmem_shared>> -> memref<50176x8xf32, #tpu.memory_space<vmem_shared>>
      tpu.wait_indirect_dma semaphore(%arg18 : memref<!tpu.dma_semaphore, #tpu.memory_space<semaphore_mem>>) src(%dma_wait3A_192 : memref<50176x8xf32, #tpu.memory_space<vmem_shared>>) dst(%arg12 : memref<128x8xf32, #tpu.memory_space<vmem>>)
      %add3A_193 = arith.constant 1 : i32
      %add3A_194 = arith.addi %mul3A_169, %add3A_193 : i32
      %mul3A_195 = arith.constant 128 : i32
      %mul3A_196 = arith.muli %add3A_194, %mul3A_195 : i32
      %dma_start3A_197 = tpu.memref_slice %arg9[%mul3A_196] : memref<25088xi32, #tpu.memory_space<vmem>> -> memref<128xi32, #tpu.memory_space<vmem>>
      %dma_start3A_198 = arith.constant 0 : i32
      %dma_start3A_199 = arith.constant 0 : i32
      %dma_start3A_200 = tpu.memref_slice %arg16[%dma_start3A_198, %dma_start3A_199] : memref<50176x8xf32, #tpu.memory_space<vmem_shared>> -> memref<50176x8xf32, #tpu.memory_space<vmem_shared>>
      tpu.enqueue_indirect_dma source(%arg12 : memref<128x8xf32, #tpu.memory_space<vmem>>) target(%dma_start3A_200 : memref<50176x8xf32, #tpu.memory_space<vmem_shared>>) offsets(%dma_start3A_197 : memref<128xi32, #tpu.memory_space<vmem>>) semaphore(%arg22 : memref<!tpu.dma_semaphore, #tpu.memory_space<semaphore_mem>>) {add = true}
      %add3A_201 = arith.constant 2 : i32
      %add3A_202 = arith.addi %mul3A_169, %add3A_201 : i32
      %mul3A_203 = arith.constant 128 : i32
      %mul3A_204 = arith.muli %add3A_202, %mul3A_203 : i32
      %dma_wait3A_205 = tpu.memref_slice %arg8[%mul3A_204] : memref<25088xi32, #tpu.memory_space<vmem>> -> memref<128xi32, #tpu.memory_space<vmem>>
      %dma_wait3A_206 = arith.constant 0 : i32
      %dma_wait3A_207 = arith.constant 0 : i32
      %dma_wait3A_208 = tpu.memref_slice %arg15[%dma_wait3A_206, %dma_wait3A_207] : memref<50176x8xf32, #tpu.memory_space<vmem_shared>> -> memref<50176x8xf32, #tpu.memory_space<vmem_shared>>
      tpu.wait_indirect_dma semaphore(%arg19 : memref<!tpu.dma_semaphore, #tpu.memory_space<semaphore_mem>>) src(%dma_wait3A_208 : memref<50176x8xf32, #tpu.memory_space<vmem_shared>>) dst(%arg13 : memref<128x8xf32, #tpu.memory_space<vmem>>)
      %add3A_209 = arith.constant 2 : i32
      %add3A_210 = arith.addi %mul3A_169, %add3A_209 : i32
      %mul3A_211 = arith.constant 128 : i32
      %mul3A_212 = arith.muli %add3A_210, %mul3A_211 : i32
      %dma_start3A_213 = tpu.memref_slice %arg9[%mul3A_212] : memref<25088xi32, #tpu.memory_space<vmem>> -> memref<128xi32, #tpu.memory_space<vmem>>
      %dma_start3A_214 = arith.constant 0 : i32
      %dma_start3A_215 = arith.constant 0 : i32
      %dma_start3A_216 = tpu.memref_slice %arg16[%dma_start3A_214, %dma_start3A_215] : memref<50176x8xf32, #tpu.memory_space<vmem_shared>> -> memref<50176x8xf32, #tpu.memory_space<vmem_shared>>
      tpu.enqueue_indirect_dma source(%arg13 : memref<128x8xf32, #tpu.memory_space<vmem>>) target(%dma_start3A_216 : memref<50176x8xf32, #tpu.memory_space<vmem_shared>>) offsets(%dma_start3A_213 : memref<128xi32, #tpu.memory_space<vmem>>) semaphore(%arg23 : memref<!tpu.dma_semaphore, #tpu.memory_space<semaphore_mem>>) {add = true}
      %add3A_217 = arith.constant 3 : i32
      %add3A_218 = arith.addi %mul3A_169, %add3A_217 : i32
      %mul3A_219 = arith.constant 128 : i32
      %mul3A_220 = arith.muli %add3A_218, %mul3A_219 : i32
      %dma_wait3A_221 = tpu.memref_slice %arg8[%mul3A_220] : memref<25088xi32, #tpu.memory_space<vmem>> -> memref<128xi32, #tpu.memory_space<vmem>>
      %dma_wait3A_222 = arith.constant 0 : i32
      %dma_wait3A_223 = arith.constant 0 : i32
      %dma_wait3A_224 = tpu.memref_slice %arg15[%dma_wait3A_222, %dma_wait3A_223] : memref<50176x8xf32, #tpu.memory_space<vmem_shared>> -> memref<50176x8xf32, #tpu.memory_space<vmem_shared>>
      tpu.wait_indirect_dma semaphore(%arg20 : memref<!tpu.dma_semaphore, #tpu.memory_space<semaphore_mem>>) src(%dma_wait3A_224 : memref<50176x8xf32, #tpu.memory_space<vmem_shared>>) dst(%arg14 : memref<128x8xf32, #tpu.memory_space<vmem>>)
      %add3A_225 = arith.constant 3 : i32
      %add3A_226 = arith.addi %mul3A_169, %add3A_225 : i32
      %mul3A_227 = arith.constant 128 : i32
      %mul3A_228 = arith.muli %add3A_226, %mul3A_227 : i32
      %dma_start3A_229 = tpu.memref_slice %arg9[%mul3A_228] : memref<25088xi32, #tpu.memory_space<vmem>> -> memref<128xi32, #tpu.memory_space<vmem>>
      %dma_start3A_230 = arith.constant 0 : i32
      %dma_start3A_231 = arith.constant 0 : i32
      %dma_start3A_232 = tpu.memref_slice %arg16[%dma_start3A_230, %dma_start3A_231] : memref<50176x8xf32, #tpu.memory_space<vmem_shared>> -> memref<50176x8xf32, #tpu.memory_space<vmem_shared>>
      tpu.enqueue_indirect_dma source(%arg14 : memref<128x8xf32, #tpu.memory_space<vmem>>) target(%dma_start3A_232 : memref<50176x8xf32, #tpu.memory_space<vmem_shared>>) offsets(%dma_start3A_229 : memref<128xi32, #tpu.memory_space<vmem>>) semaphore(%arg24 : memref<!tpu.dma_semaphore, #tpu.memory_space<semaphore_mem>>) {add = true}
      %add3A_233 = arith.constant 0 : i32
      %add3A_234 = arith.addi %mul3A_169, %add3A_233 : i32
      %mul3A_235 = arith.constant 128 : i32
      %mul3A_236 = arith.muli %add3A_234, %mul3A_235 : i32
      %dma_wait3A_237 = tpu.memref_slice %arg9[%mul3A_236] : memref<25088xi32, #tpu.memory_space<vmem>> -> memref<128xi32, #tpu.memory_space<vmem>>
      %dma_wait3A_238 = arith.constant 0 : i32
      %dma_wait3A_239 = arith.constant 0 : i32
      %dma_wait3A_240 = tpu.memref_slice %arg16[%dma_wait3A_238, %dma_wait3A_239] : memref<50176x8xf32, #tpu.memory_space<vmem_shared>> -> memref<50176x8xf32, #tpu.memory_space<vmem_shared>>
      tpu.wait_indirect_dma semaphore(%arg21 : memref<!tpu.dma_semaphore, #tpu.memory_space<semaphore_mem>>) src(%arg11 : memref<128x8xf32, #tpu.memory_space<vmem>>) dst(%dma_wait3A_240 : memref<50176x8xf32, #tpu.memory_space<vmem_shared>>)
      %add3A_241 = arith.constant 4 : i32
      %add3A_242 = arith.addi %mul3A_169, %add3A_241 : i32
      %add3A_243 = arith.constant 0 : i32
      %add3A_244 = arith.addi %add3A_242, %add3A_243 : i32
      %lt3A_245 = arith.cmpi slt, %add3A_244, %sub3A_49 : i32
      %convert_element_type3A_246 = arith.extui %lt3A_245 : i1 to i32
      %cond3A_247 = arith.constant 0 : i32
      %cond3A_248 = arith.cmpi ne, %convert_element_type3A_246, %cond3A_247 : i32
      scf.if %cond3A_248 {
        %mul3A_297 = arith.constant 128 : i32
        %mul3A_298 = arith.muli %add3A_244, %mul3A_297 : i32
        %dma_start3A_299 = tpu.memref_slice %arg8[%mul3A_298] : memref<25088xi32, #tpu.memory_space<vmem>> -> memref<128xi32, #tpu.memory_space<vmem>>
        %dma_start3A_300 = arith.constant 0 : i32
        %dma_start3A_301 = arith.constant 0 : i32
        %dma_start3A_302 = tpu.memref_slice %arg15[%dma_start3A_300, %dma_start3A_301] : memref<50176x8xf32, #tpu.memory_space<vmem_shared>> -> memref<50176x8xf32, #tpu.memory_space<vmem_shared>>
        tpu.enqueue_indirect_dma source(%dma_start3A_302 : memref<50176x8xf32, #tpu.memory_space<vmem_shared>>) target(%arg11 : memref<128x8xf32, #tpu.memory_space<vmem>>) offsets(%dma_start3A_299 : memref<128xi32, #tpu.memory_space<vmem>>) semaphore(%arg17 : memref<!tpu.dma_semaphore, #tpu.memory_space<semaphore_mem>>)
      } else {
      }
      %add3A_249 = arith.constant 1 : i32
      %add3A_250 = arith.addi %mul3A_169, %add3A_249 : i32
      %mul3A_251 = arith.constant 128 : i32
      %mul3A_252 = arith.muli %add3A_250, %mul3A_251 : i32
      %dma_wait3A_253 = tpu.memref_slice %arg9[%mul3A_252] : memref<25088xi32, #tpu.memory_space<vmem>> -> memref<128xi32, #tpu.memory_space<vmem>>
      %dma_wait3A_254 = arith.constant 0 : i32
      %dma_wait3A_255 = arith.constant 0 : i32
      %dma_wait3A_256 = tpu.memref_slice %arg16[%dma_wait3A_254, %dma_wait3A_255] : memref<50176x8xf32, #tpu.memory_space<vmem_shared>> -> memref<50176x8xf32, #tpu.memory_space<vmem_shared>>
      tpu.wait_indirect_dma semaphore(%arg22 : memref<!tpu.dma_semaphore, #tpu.memory_space<semaphore_mem>>) src(%arg12 : memref<128x8xf32, #tpu.memory_space<vmem>>) dst(%dma_wait3A_256 : memref<50176x8xf32, #tpu.memory_space<vmem_shared>>)
      %add3A_257 = arith.constant 4 : i32
      %add3A_258 = arith.addi %mul3A_169, %add3A_257 : i32
      %add3A_259 = arith.constant 1 : i32
      %add3A_260 = arith.addi %add3A_258, %add3A_259 : i32
      %lt3A_261 = arith.cmpi slt, %add3A_260, %sub3A_49 : i32
      %convert_element_type3A_262 = arith.extui %lt3A_261 : i1 to i32
      %cond3A_263 = arith.constant 0 : i32
      %cond3A_264 = arith.cmpi ne, %convert_element_type3A_262, %cond3A_263 : i32
      scf.if %cond3A_264 {
        %mul3A_297 = arith.constant 128 : i32
        %mul3A_298 = arith.muli %add3A_260, %mul3A_297 : i32
        %dma_start3A_299 = tpu.memref_slice %arg8[%mul3A_298] : memref<25088xi32, #tpu.memory_space<vmem>> -> memref<128xi32, #tpu.memory_space<vmem>>
        %dma_start3A_300 = arith.constant 0 : i32
        %dma_start3A_301 = arith.constant 0 : i32
        %dma_start3A_302 = tpu.memref_slice %arg15[%dma_start3A_300, %dma_start3A_301] : memref<50176x8xf32, #tpu.memory_space<vmem_shared>> -> memref<50176x8xf32, #tpu.memory_space<vmem_shared>>
        tpu.enqueue_indirect_dma source(%dma_start3A_302 : memref<50176x8xf32, #tpu.memory_space<vmem_shared>>) target(%arg12 : memref<128x8xf32, #tpu.memory_space<vmem>>) offsets(%dma_start3A_299 : memref<128xi32, #tpu.memory_space<vmem>>) semaphore(%arg18 : memref<!tpu.dma_semaphore, #tpu.memory_space<semaphore_mem>>)
      } else {
      }
      %add3A_265 = arith.constant 2 : i32
      %add3A_266 = arith.addi %mul3A_169, %add3A_265 : i32
      %mul3A_267 = arith.constant 128 : i32
      %mul3A_268 = arith.muli %add3A_266, %mul3A_267 : i32
      %dma_wait3A_269 = tpu.memref_slice %arg9[%mul3A_268] : memref<25088xi32, #tpu.memory_space<vmem>> -> memref<128xi32, #tpu.memory_space<vmem>>
      %dma_wait3A_270 = arith.constant 0 : i32
      %dma_wait3A_271 = arith.constant 0 : i32
      %dma_wait3A_272 = tpu.memref_slice %arg16[%dma_wait3A_270, %dma_wait3A_271] : memref<50176x8xf32, #tpu.memory_space<vmem_shared>> -> memref<50176x8xf32, #tpu.memory_space<vmem_shared>>
      tpu.wait_indirect_dma semaphore(%arg23 : memref<!tpu.dma_semaphore, #tpu.memory_space<semaphore_mem>>) src(%arg13 : memref<128x8xf32, #tpu.memory_space<vmem>>) dst(%dma_wait3A_272 : memref<50176x8xf32, #tpu.memory_space<vmem_shared>>)
      %add3A_273 = arith.constant 4 : i32
      %add3A_274 = arith.addi %mul3A_169, %add3A_273 : i32
      %add3A_275 = arith.constant 2 : i32
      %add3A_276 = arith.addi %add3A_274, %add3A_275 : i32
      %lt3A_277 = arith.cmpi slt, %add3A_276, %sub3A_49 : i32
      %convert_element_type3A_278 = arith.extui %lt3A_277 : i1 to i32
      %cond3A_279 = arith.constant 0 : i32
      %cond3A_280 = arith.cmpi ne, %convert_element_type3A_278, %cond3A_279 : i32
      scf.if %cond3A_280 {
        %mul3A_297 = arith.constant 128 : i32
        %mul3A_298 = arith.muli %add3A_276, %mul3A_297 : i32
        %dma_start3A_299 = tpu.memref_slice %arg8[%mul3A_298] : memref<25088xi32, #tpu.memory_space<vmem>> -> memref<128xi32, #tpu.memory_space<vmem>>
        %dma_start3A_300 = arith.constant 0 : i32
        %dma_start3A_301 = arith.constant 0 : i32
        %dma_start3A_302 = tpu.memref_slice %arg15[%dma_start3A_300, %dma_start3A_301] : memref<50176x8xf32, #tpu.memory_space<vmem_shared>> -> memref<50176x8xf32, #tpu.memory_space<vmem_shared>>
        tpu.enqueue_indirect_dma source(%dma_start3A_302 : memref<50176x8xf32, #tpu.memory_space<vmem_shared>>) target(%arg13 : memref<128x8xf32, #tpu.memory_space<vmem>>) offsets(%dma_start3A_299 : memref<128xi32, #tpu.memory_space<vmem>>) semaphore(%arg19 : memref<!tpu.dma_semaphore, #tpu.memory_space<semaphore_mem>>)
      } else {
      }
      %add3A_281 = arith.constant 3 : i32
      %add3A_282 = arith.addi %mul3A_169, %add3A_281 : i32
      %mul3A_283 = arith.constant 128 : i32
      %mul3A_284 = arith.muli %add3A_282, %mul3A_283 : i32
      %dma_wait3A_285 = tpu.memref_slice %arg9[%mul3A_284] : memref<25088xi32, #tpu.memory_space<vmem>> -> memref<128xi32, #tpu.memory_space<vmem>>
      %dma_wait3A_286 = arith.constant 0 : i32
      %dma_wait3A_287 = arith.constant 0 : i32
      %dma_wait3A_288 = tpu.memref_slice %arg16[%dma_wait3A_286, %dma_wait3A_287] : memref<50176x8xf32, #tpu.memory_space<vmem_shared>> -> memref<50176x8xf32, #tpu.memory_space<vmem_shared>>
      tpu.wait_indirect_dma semaphore(%arg24 : memref<!tpu.dma_semaphore, #tpu.memory_space<semaphore_mem>>) src(%arg14 : memref<128x8xf32, #tpu.memory_space<vmem>>) dst(%dma_wait3A_288 : memref<50176x8xf32, #tpu.memory_space<vmem_shared>>)
      %add3A_289 = arith.constant 4 : i32
      %add3A_290 = arith.addi %mul3A_169, %add3A_289 : i32
      %add3A_291 = arith.constant 3 : i32
      %add3A_292 = arith.addi %add3A_290, %add3A_291 : i32
      %lt3A_293 = arith.cmpi slt, %add3A_292, %sub3A_49 : i32
      %convert_element_type3A_294 = arith.extui %lt3A_293 : i1 to i32
      %cond3A_295 = arith.constant 0 : i32
      %cond3A_296 = arith.cmpi ne, %convert_element_type3A_294, %cond3A_295 : i32
      scf.if %cond3A_296 {
        %mul3A_297 = arith.constant 128 : i32
        %mul3A_298 = arith.muli %add3A_292, %mul3A_297 : i32
        %dma_start3A_299 = tpu.memref_slice %arg8[%mul3A_298] : memref<25088xi32, #tpu.memory_space<vmem>> -> memref<128xi32, #tpu.memory_space<vmem>>
        %dma_start3A_300 = arith.constant 0 : i32
        %dma_start3A_301 = arith.constant 0 : i32
        %dma_start3A_302 = tpu.memref_slice %arg15[%dma_start3A_300, %dma_start3A_301] : memref<50176x8xf32, #tpu.memory_space<vmem_shared>> -> memref<50176x8xf32, #tpu.memory_space<vmem_shared>>
        tpu.enqueue_indirect_dma source(%dma_start3A_302 : memref<50176x8xf32, #tpu.memory_space<vmem_shared>>) target(%arg14 : memref<128x8xf32, #tpu.memory_space<vmem>>) offsets(%dma_start3A_299 : memref<128xi32, #tpu.memory_space<vmem>>) semaphore(%arg20 : memref<!tpu.dma_semaphore, #tpu.memory_space<semaphore_mem>>)
      } else {
      }
    }
    %while3A_112 = arith.constant 1 : i32
    scf.for %while3A_167 = %while3A_110 to %while3A_106 step %while3A_112  : i32 {
      %mul3A_168 = arith.constant 4 : i32
      %mul3A_169 = arith.muli %while3A_167, %mul3A_168 : i32
      %add3A_170 = arith.constant 0 : i32
      %add3A_171 = arith.addi %mul3A_169, %add3A_170 : i32
      %mul3A_172 = arith.constant 128 : i32
      %mul3A_173 = arith.muli %add3A_171, %mul3A_172 : i32
      %dma_wait3A = tpu.memref_slice %arg8[%mul3A_173] : memref<25088xi32, #tpu.memory_space<vmem>> -> memref<128xi32, #tpu.memory_space<vmem>>
      %dma_wait3A_174 = arith.constant 0 : i32
      %dma_wait3A_175 = arith.constant 0 : i32
      %dma_wait3A_176 = tpu.memref_slice %arg15[%dma_wait3A_174, %dma_wait3A_175] : memref<50176x8xf32, #tpu.memory_space<vmem_shared>> -> memref<50176x8xf32, #tpu.memory_space<vmem_shared>>
      tpu.wait_indirect_dma semaphore(%arg17 : memref<!tpu.dma_semaphore, #tpu.memory_space<semaphore_mem>>) src(%dma_wait3A_176 : memref<50176x8xf32, #tpu.memory_space<vmem_shared>>) dst(%arg11 : memref<128x8xf32, #tpu.memory_space<vmem>>)
      %add3A_177 = arith.constant 0 : i32
      %add3A_178 = arith.addi %mul3A_169, %add3A_177 : i32
      %mul3A_179 = arith.constant 128 : i32
      %mul3A_180 = arith.muli %add3A_178, %mul3A_179 : i32
      %dma_start3A_181 = tpu.memref_slice %arg9[%mul3A_180] : memref<25088xi32, #tpu.memory_space<vmem>> -> memref<128xi32, #tpu.memory_space<vmem>>
      %dma_start3A_182 = arith.constant 0 : i32
      %dma_start3A_183 = arith.constant 0 : i32
      %dma_start3A_184 = tpu.memref_slice %arg16[%dma_start3A_182, %dma_start3A_183] : memref<50176x8xf32, #tpu.memory_space<vmem_shared>> -> memref<50176x8xf32, #tpu.memory_space<vmem_shared>>
      tpu.enqueue_indirect_dma source(%arg11 : memref<128x8xf32, #tpu.memory_space<vmem>>) target(%dma_start3A_184 : memref<50176x8xf32, #tpu.memory_space<vmem_shared>>) offsets(%dma_start3A_181 : memref<128xi32, #tpu.memory_space<vmem>>) semaphore(%arg21 : memref<!tpu.dma_semaphore, #tpu.memory_space<semaphore_mem>>) {add = true}
      %add3A_185 = arith.constant 1 : i32
      %add3A_186 = arith.addi %mul3A_169, %add3A_185 : i32
      %mul3A_187 = arith.constant 128 : i32
      %mul3A_188 = arith.muli %add3A_186, %mul3A_187 : i32
      %dma_wait3A_189 = tpu.memref_slice %arg8[%mul3A_188] : memref<25088xi32, #tpu.memory_space<vmem>> -> memref<128xi32, #tpu.memory_space<vmem>>
      %dma_wait3A_190 = arith.constant 0 : i32
      %dma_wait3A_191 = arith.constant 0 : i32
      %dma_wait3A_192 = tpu.memref_slice %arg15[%dma_wait3A_190, %dma_wait3A_191] : memref<50176x8xf32, #tpu.memory_space<vmem_shared>> -> memref<50176x8xf32, #tpu.memory_space<vmem_shared>>
      tpu.wait_indirect_dma semaphore(%arg18 : memref<!tpu.dma_semaphore, #tpu.memory_space<semaphore_mem>>) src(%dma_wait3A_192 : memref<50176x8xf32, #tpu.memory_space<vmem_shared>>) dst(%arg12 : memref<128x8xf32, #tpu.memory_space<vmem>>)
      %add3A_193 = arith.constant 1 : i32
      %add3A_194 = arith.addi %mul3A_169, %add3A_193 : i32
      %mul3A_195 = arith.constant 128 : i32
      %mul3A_196 = arith.muli %add3A_194, %mul3A_195 : i32
      %dma_start3A_197 = tpu.memref_slice %arg9[%mul3A_196] : memref<25088xi32, #tpu.memory_space<vmem>> -> memref<128xi32, #tpu.memory_space<vmem>>
      %dma_start3A_198 = arith.constant 0 : i32
      %dma_start3A_199 = arith.constant 0 : i32
      %dma_start3A_200 = tpu.memref_slice %arg16[%dma_start3A_198, %dma_start3A_199] : memref<50176x8xf32, #tpu.memory_space<vmem_shared>> -> memref<50176x8xf32, #tpu.memory_space<vmem_shared>>
      tpu.enqueue_indirect_dma source(%arg12 : memref<128x8xf32, #tpu.memory_space<vmem>>) target(%dma_start3A_200 : memref<50176x8xf32, #tpu.memory_space<vmem_shared>>) offsets(%dma_start3A_197 : memref<128xi32, #tpu.memory_space<vmem>>) semaphore(%arg22 : memref<!tpu.dma_semaphore, #tpu.memory_space<semaphore_mem>>) {add = true}
      %add3A_201 = arith.constant 2 : i32
      %add3A_202 = arith.addi %mul3A_169, %add3A_201 : i32
      %mul3A_203 = arith.constant 128 : i32
      %mul3A_204 = arith.muli %add3A_202, %mul3A_203 : i32
      %dma_wait3A_205 = tpu.memref_slice %arg8[%mul3A_204] : memref<25088xi32, #tpu.memory_space<vmem>> -> memref<128xi32, #tpu.memory_space<vmem>>
      %dma_wait3A_206 = arith.constant 0 : i32
      %dma_wait3A_207 = arith.constant 0 : i32
      %dma_wait3A_208 = tpu.memref_slice %arg15[%dma_wait3A_206, %dma_wait3A_207] : memref<50176x8xf32, #tpu.memory_space<vmem_shared>> -> memref<50176x8xf32, #tpu.memory_space<vmem_shared>>
      tpu.wait_indirect_dma semaphore(%arg19 : memref<!tpu.dma_semaphore, #tpu.memory_space<semaphore_mem>>) src(%dma_wait3A_208 : memref<50176x8xf32, #tpu.memory_space<vmem_shared>>) dst(%arg13 : memref<128x8xf32, #tpu.memory_space<vmem>>)
      %add3A_209 = arith.constant 2 : i32
      %add3A_210 = arith.addi %mul3A_169, %add3A_209 : i32
      %mul3A_211 = arith.constant 128 : i32
      %mul3A_212 = arith.muli %add3A_210, %mul3A_211 : i32
      %dma_start3A_213 = tpu.memref_slice %arg9[%mul3A_212] : memref<25088xi32, #tpu.memory_space<vmem>> -> memref<128xi32, #tpu.memory_space<vmem>>
      %dma_start3A_214 = arith.constant 0 : i32
      %dma_start3A_215 = arith.constant 0 : i32
      %dma_start3A_216 = tpu.memref_slice %arg16[%dma_start3A_214, %dma_start3A_215] : memref<50176x8xf32, #tpu.memory_space<vmem_shared>> -> memref<50176x8xf32, #tpu.memory_space<vmem_shared>>
      tpu.enqueue_indirect_dma source(%arg13 : memref<128x8xf32, #tpu.memory_space<vmem>>) target(%dma_start3A_216 : memref<50176x8xf32, #tpu.memory_space<vmem_shared>>) offsets(%dma_start3A_213 : memref<128xi32, #tpu.memory_space<vmem>>) semaphore(%arg23 : memref<!tpu.dma_semaphore, #tpu.memory_space<semaphore_mem>>) {add = true}
      %add3A_217 = arith.constant 3 : i32
      %add3A_218 = arith.addi %mul3A_169, %add3A_217 : i32
      %mul3A_219 = arith.constant 128 : i32
      %mul3A_220 = arith.muli %add3A_218, %mul3A_219 : i32
      %dma_wait3A_221 = tpu.memref_slice %arg8[%mul3A_220] : memref<25088xi32, #tpu.memory_space<vmem>> -> memref<128xi32, #tpu.memory_space<vmem>>
      %dma_wait3A_222 = arith.constant 0 : i32
      %dma_wait3A_223 = arith.constant 0 : i32
      %dma_wait3A_224 = tpu.memref_slice %arg15[%dma_wait3A_222, %dma_wait3A_223] : memref<50176x8xf32, #tpu.memory_space<vmem_shared>> -> memref<50176x8xf32, #tpu.memory_space<vmem_shared>>
      tpu.wait_indirect_dma semaphore(%arg20 : memref<!tpu.dma_semaphore, #tpu.memory_space<semaphore_mem>>) src(%dma_wait3A_224 : memref<50176x8xf32, #tpu.memory_space<vmem_shared>>) dst(%arg14 : memref<128x8xf32, #tpu.memory_space<vmem>>)
      %add3A_225 = arith.constant 3 : i32
      %add3A_226 = arith.addi %mul3A_169, %add3A_225 : i32
      %mul3A_227 = arith.constant 128 : i32
      %mul3A_228 = arith.muli %add3A_226, %mul3A_227 : i32
      %dma_start3A_229 = tpu.memref_slice %arg9[%mul3A_228] : memref<25088xi32, #tpu.memory_space<vmem>> -> memref<128xi32, #tpu.memory_space<vmem>>
      %dma_start3A_230 = arith.constant 0 : i32
      %dma_start3A_231 = arith.constant 0 : i32
      %dma_start3A_232 = tpu.memref_slice %arg16[%dma_start3A_230, %dma_start3A_231] : memref<50176x8xf32, #tpu.memory_space<vmem_shared>> -> memref<50176x8xf32, #tpu.memory_space<vmem_shared>>
      tpu.enqueue_indirect_dma source(%arg14 : memref<128x8xf32, #tpu.memory_space<vmem>>) target(%dma_start3A_232 : memref<50176x8xf32, #tpu.memory_space<vmem_shared>>) offsets(%dma_start3A_229 : memref<128xi32, #tpu.memory_space<vmem>>) semaphore(%arg24 : memref<!tpu.dma_semaphore, #tpu.memory_space<semaphore_mem>>) {add = true}
      %add3A_233 = arith.constant 0 : i32
      %add3A_234 = arith.addi %mul3A_169, %add3A_233 : i32
      %mul3A_235 = arith.constant 128 : i32
      %mul3A_236 = arith.muli %add3A_234, %mul3A_235 : i32
      %dma_wait3A_237 = tpu.memref_slice %arg9[%mul3A_236] : memref<25088xi32, #tpu.memory_space<vmem>> -> memref<128xi32, #tpu.memory_space<vmem>>
      %dma_wait3A_238 = arith.constant 0 : i32
      %dma_wait3A_239 = arith.constant 0 : i32
      %dma_wait3A_240 = tpu.memref_slice %arg16[%dma_wait3A_238, %dma_wait3A_239] : memref<50176x8xf32, #tpu.memory_space<vmem_shared>> -> memref<50176x8xf32, #tpu.memory_space<vmem_shared>>
      tpu.wait_indirect_dma semaphore(%arg21 : memref<!tpu.dma_semaphore, #tpu.memory_space<semaphore_mem>>) src(%arg11 : memref<128x8xf32, #tpu.memory_space<vmem>>) dst(%dma_wait3A_240 : memref<50176x8xf32, #tpu.memory_space<vmem_shared>>)
      %add3A_241 = arith.constant 4 : i32
      %add3A_242 = arith.addi %mul3A_169, %add3A_241 : i32
      %add3A_243 = arith.constant 0 : i32
      %add3A_244 = arith.addi %add3A_242, %add3A_243 : i32
      %lt3A_245 = arith.cmpi slt, %add3A_244, %sub3A_49 : i32
      %convert_element_type3A_246 = arith.extui %lt3A_245 : i1 to i32
      %cond3A_247 = arith.constant 0 : i32
      %cond3A_248 = arith.cmpi ne, %convert_element_type3A_246, %cond3A_247 : i32
      scf.if %cond3A_248 {
        %mul3A_297 = arith.constant 128 : i32
        %mul3A_298 = arith.muli %add3A_244, %mul3A_297 : i32
        %dma_start3A_299 = tpu.memref_slice %arg8[%mul3A_298] : memref<25088xi32, #tpu.memory_space<vmem>> -> memref<128xi32, #tpu.memory_space<vmem>>
        %dma_start3A_300 = arith.constant 0 : i32
        %dma_start3A_301 = arith.constant 0 : i32
        %dma_start3A_302 = tpu.memref_slice %arg15[%dma_start3A_300, %dma_start3A_301] : memref<50176x8xf32, #tpu.memory_space<vmem_shared>> -> memref<50176x8xf32, #tpu.memory_space<vmem_shared>>
        tpu.enqueue_indirect_dma source(%dma_start3A_302 : memref<50176x8xf32, #tpu.memory_space<vmem_shared>>) target(%arg11 : memref<128x8xf32, #tpu.memory_space<vmem>>) offsets(%dma_start3A_299 : memref<128xi32, #tpu.memory_space<vmem>>) semaphore(%arg17 : memref<!tpu.dma_semaphore, #tpu.memory_space<semaphore_mem>>)
      } else {
      }
      %add3A_249 = arith.constant 1 : i32
      %add3A_250 = arith.addi %mul3A_169, %add3A_249 : i32
      %mul3A_251 = arith.constant 128 : i32
      %mul3A_252 = arith.muli %add3A_250, %mul3A_251 : i32
      %dma_wait3A_253 = tpu.memref_slice %arg9[%mul3A_252] : memref<25088xi32, #tpu.memory_space<vmem>> -> memref<128xi32, #tpu.memory_space<vmem>>
      %dma_wait3A_254 = arith.constant 0 : i32
      %dma_wait3A_255 = arith.constant 0 : i32
      %dma_wait3A_256 = tpu.memref_slice %arg16[%dma_wait3A_254, %dma_wait3A_255] : memref<50176x8xf32, #tpu.memory_space<vmem_shared>> -> memref<50176x8xf32, #tpu.memory_space<vmem_shared>>
      tpu.wait_indirect_dma semaphore(%arg22 : memref<!tpu.dma_semaphore, #tpu.memory_space<semaphore_mem>>) src(%arg12 : memref<128x8xf32, #tpu.memory_space<vmem>>) dst(%dma_wait3A_256 : memref<50176x8xf32, #tpu.memory_space<vmem_shared>>)
      %add3A_257 = arith.constant 4 : i32
      %add3A_258 = arith.addi %mul3A_169, %add3A_257 : i32
      %add3A_259 = arith.constant 1 : i32
      %add3A_260 = arith.addi %add3A_258, %add3A_259 : i32
      %lt3A_261 = arith.cmpi slt, %add3A_260, %sub3A_49 : i32
      %convert_element_type3A_262 = arith.extui %lt3A_261 : i1 to i32
      %cond3A_263 = arith.constant 0 : i32
      %cond3A_264 = arith.cmpi ne, %convert_element_type3A_262, %cond3A_263 : i32
      scf.if %cond3A_264 {
        %mul3A_297 = arith.constant 128 : i32
        %mul3A_298 = arith.muli %add3A_260, %mul3A_297 : i32
        %dma_start3A_299 = tpu.memref_slice %arg8[%mul3A_298] : memref<25088xi32, #tpu.memory_space<vmem>> -> memref<128xi32, #tpu.memory_space<vmem>>
        %dma_start3A_300 = arith.constant 0 : i32
        %dma_start3A_301 = arith.constant 0 : i32
        %dma_start3A_302 = tpu.memref_slice %arg15[%dma_start3A_300, %dma_start3A_301] : memref<50176x8xf32, #tpu.memory_space<vmem_shared>> -> memref<50176x8xf32, #tpu.memory_space<vmem_shared>>
        tpu.enqueue_indirect_dma source(%dma_start3A_302 : memref<50176x8xf32, #tpu.memory_space<vmem_shared>>) target(%arg12 : memref<128x8xf32, #tpu.memory_space<vmem>>) offsets(%dma_start3A_299 : memref<128xi32, #tpu.memory_space<vmem>>) semaphore(%arg18 : memref<!tpu.dma_semaphore, #tpu.memory_space<semaphore_mem>>)
      } else {
      }
      %add3A_265 = arith.constant 2 : i32
      %add3A_266 = arith.addi %mul3A_169, %add3A_265 : i32
      %mul3A_267 = arith.constant 128 : i32
      %mul3A_268 = arith.muli %add3A_266, %mul3A_267 : i32
      %dma_wait3A_269 = tpu.memref_slice %arg9[%mul3A_268] : memref<25088xi32, #tpu.memory_space<vmem>> -> memref<128xi32, #tpu.memory_space<vmem>>
      %dma_wait3A_270 = arith.constant 0 : i32
      %dma_wait3A_271 = arith.constant 0 : i32
      %dma_wait3A_272 = tpu.memref_slice %arg16[%dma_wait3A_270, %dma_wait3A_271] : memref<50176x8xf32, #tpu.memory_space<vmem_shared>> -> memref<50176x8xf32, #tpu.memory_space<vmem_shared>>
      tpu.wait_indirect_dma semaphore(%arg23 : memref<!tpu.dma_semaphore, #tpu.memory_space<semaphore_mem>>) src(%arg13 : memref<128x8xf32, #tpu.memory_space<vmem>>) dst(%dma_wait3A_272 : memref<50176x8xf32, #tpu.memory_space<vmem_shared>>)
      %add3A_273 = arith.constant 4 : i32
      %add3A_274 = arith.addi %mul3A_169, %add3A_273 : i32
      %add3A_275 = arith.constant 2 : i32
      %add3A_276 = arith.addi %add3A_274, %add3A_275 : i32
      %lt3A_277 = arith.cmpi slt, %add3A_276, %sub3A_49 : i32
      %convert_element_type3A_278 = arith.extui %lt3A_277 : i1 to i32
      %cond3A_279 = arith.constant 0 : i32
      %cond3A_280 = arith.cmpi ne, %convert_element_type3A_278, %cond3A_279 : i32
      scf.if %cond3A_280 {
        %mul3A_297 = arith.constant 128 : i32
        %mul3A_298 = arith.muli %add3A_276, %mul3A_297 : i32
        %dma_start3A_299 = tpu.memref_slice %arg8[%mul3A_298] : memref<25088xi32, #tpu.memory_space<vmem>> -> memref<128xi32, #tpu.memory_space<vmem>>
        %dma_start3A_300 = arith.constant 0 : i32
        %dma_start3A_301 = arith.constant 0 : i32
        %dma_start3A_302 = tpu.memref_slice %arg15[%dma_start3A_300, %dma_start3A_301] : memref<50176x8xf32, #tpu.memory_space<vmem_shared>> -> memref<50176x8xf32, #tpu.memory_space<vmem_shared>>
        tpu.enqueue_indirect_dma source(%dma_start3A_302 : memref<50176x8xf32, #tpu.memory_space<vmem_shared>>) target(%arg13 : memref<128x8xf32, #tpu.memory_space<vmem>>) offsets(%dma_start3A_299 : memref<128xi32, #tpu.memory_space<vmem>>) semaphore(%arg19 : memref<!tpu.dma_semaphore, #tpu.memory_space<semaphore_mem>>)
      } else {
      }
      %add3A_281 = arith.constant 3 : i32
      %add3A_282 = arith.addi %mul3A_169, %add3A_281 : i32
      %mul3A_283 = arith.constant 128 : i32
      %mul3A_284 = arith.muli %add3A_282, %mul3A_283 : i32
      %dma_wait3A_285 = tpu.memref_slice %arg9[%mul3A_284] : memref<25088xi32, #tpu.memory_space<vmem>> -> memref<128xi32, #tpu.memory_space<vmem>>
      %dma_wait3A_286 = arith.constant 0 : i32
      %dma_wait3A_287 = arith.constant 0 : i32
      %dma_wait3A_288 = tpu.memref_slice %arg16[%dma_wait3A_286, %dma_wait3A_287] : memref<50176x8xf32, #tpu.memory_space<vmem_shared>> -> memref<50176x8xf32, #tpu.memory_space<vmem_shared>>
      tpu.wait_indirect_dma semaphore(%arg24 : memref<!tpu.dma_semaphore, #tpu.memory_space<semaphore_mem>>) src(%arg14 : memref<128x8xf32, #tpu.memory_space<vmem>>) dst(%dma_wait3A_288 : memref<50176x8xf32, #tpu.memory_space<vmem_shared>>)
      %add3A_289 = arith.constant 4 : i32
      %add3A_290 = arith.addi %mul3A_169, %add3A_289 : i32
      %add3A_291 = arith.constant 3 : i32
      %add3A_292 = arith.addi %add3A_290, %add3A_291 : i32
      %lt3A_293 = arith.cmpi slt, %add3A_292, %sub3A_49 : i32
      %convert_element_type3A_294 = arith.extui %lt3A_293 : i1 to i32
      %cond3A_295 = arith.constant 0 : i32
      %cond3A_296 = arith.cmpi ne, %convert_element_type3A_294, %cond3A_295 : i32
      scf.if %cond3A_296 {
        %mul3A_297 = arith.constant 128 : i32
        %mul3A_298 = arith.muli %add3A_292, %mul3A_297 : i32
        %dma_start3A_299 = tpu.memref_slice %arg8[%mul3A_298] : memref<25088xi32, #tpu.memory_space<vmem>> -> memref<128xi32, #tpu.memory_space<vmem>>
        %dma_start3A_300 = arith.constant 0 : i32
        %dma_start3A_301 = arith.constant 0 : i32
        %dma_start3A_302 = tpu.memref_slice %arg15[%dma_start3A_300, %dma_start3A_301] : memref<50176x8xf32, #tpu.memory_space<vmem_shared>> -> memref<50176x8xf32, #tpu.memory_space<vmem_shared>>
        tpu.enqueue_indirect_dma source(%dma_start3A_302 : memref<50176x8xf32, #tpu.memory_space<vmem_shared>>) target(%arg14 : memref<128x8xf32, #tpu.memory_space<vmem>>) offsets(%dma_start3A_299 : memref<128xi32, #tpu.memory_space<vmem>>) semaphore(%arg20 : memref<!tpu.dma_semaphore, #tpu.memory_space<semaphore_mem>>)
      } else {
      }
    }
    %jit3A_113 = arith.constant 4 : i32
    %div3A_114 = arith.divsi %sub3A_49, %jit3A_113 : i32
    %sign3A_115 = arith.constant 0 : i32
    %sign3A_116 = arith.cmpi sgt, %sub3A_49, %sign3A_115 : i32
    %sign3A_117 = arith.extui %sign3A_116 : i1 to i32
    %sign3A_118 = arith.constant 0 : i32
    %sign3A_119 = arith.cmpi slt, %sub3A_49, %sign3A_118 : i32
    %sign3A_120 = arith.extui %sign3A_119 : i1 to i32
    %sign3A_121 = arith.subi %sign3A_117, %sign3A_120 : i32
    %sign3A_122 = arith.constant 0 : i32
    %sign3A_123 = arith.cmpi sgt, %jit3A_113, %sign3A_122 : i32
    %sign3A_124 = arith.extui %sign3A_123 : i1 to i32
    %sign3A_125 = arith.constant 0 : i32
    %sign3A_126 = arith.cmpi slt, %jit3A_113, %sign3A_125 : i32
    %sign3A_127 = arith.extui %sign3A_126 : i1 to i32
    %sign3A_128 = arith.subi %sign3A_124, %sign3A_127 : i32
    %ne3A_129 = arith.cmpi ne, %sign3A_121, %sign3A_128 : i32
    %rem3A_130 = arith.remsi %sub3A_49, %jit3A_113 : i32
    %ne3A_131 = arith.constant 0 : i32
    %ne3A_132 = arith.cmpi ne, %rem3A_130, %ne3A_131 : i32
    %and3A_133 = arith.andi %ne3A_129, %ne3A_132 : i1
    %sub3A_134 = arith.constant 1 : i32
    %sub3A_135 = arith.subi %div3A_114, %sub3A_134 : i32
    %select_n3A_136 = arith.select %and3A_133, %sub3A_135, %div3A_114 : i32
    %mul3A_137 = arith.constant 4 : i32
    %mul3A_138 = arith.muli %select_n3A_136, %mul3A_137 : i32
    %add3A_139 = arith.constant 0 : i32
    %add3A_140 = arith.addi %mul3A_138, %add3A_139 : i32
    %lt3A = arith.cmpi slt, %add3A_140, %sub3A_49 : i32
    %convert_element_type3A_141 = arith.extui %lt3A : i1 to i32
    %cond3A_142 = arith.constant 0 : i32
    %cond3A_143 = arith.cmpi ne, %convert_element_type3A_141, %cond3A_142 : i32
    scf.if %cond3A_143 {
      %mul3A_167 = arith.constant 128 : i32
      %mul3A_168 = arith.muli %add3A_140, %mul3A_167 : i32
      %dma_wait3A = tpu.memref_slice %arg8[%mul3A_168] : memref<25088xi32, #tpu.memory_space<vmem>> -> memref<128xi32, #tpu.memory_space<vmem>>
      %dma_wait3A_169 = arith.constant 0 : i32
      %dma_wait3A_170 = arith.constant 0 : i32
      %dma_wait3A_171 = tpu.memref_slice %arg15[%dma_wait3A_169, %dma_wait3A_170] : memref<50176x8xf32, #tpu.memory_space<vmem_shared>> -> memref<50176x8xf32, #tpu.memory_space<vmem_shared>>
      tpu.wait_indirect_dma semaphore(%arg17 : memref<!tpu.dma_semaphore, #tpu.memory_space<semaphore_mem>>) src(%dma_wait3A_171 : memref<50176x8xf32, #tpu.memory_space<vmem_shared>>) dst(%arg11 : memref<128x8xf32, #tpu.memory_space<vmem>>)
      %mul3A_172 = arith.constant 128 : i32
      %mul3A_173 = arith.muli %add3A_140, %mul3A_172 : i32
      "tpu.region"() ({
        %run_scoped3A = tpu.sem_alloc : memref<!tpu.dma_semaphore, #tpu.memory_space<semaphore_mem>>
        %dma_start3A_174 = tpu.memref_slice %arg9[%mul3A_173] : memref<25088xi32, #tpu.memory_space<vmem>> -> memref<128xi32, #tpu.memory_space<vmem>>
        %dma_start3A_175 = arith.constant 0 : i32
        %dma_start3A_176 = arith.constant 0 : i32
        %dma_start3A_177 = tpu.memref_slice %arg16[%dma_start3A_175, %dma_start3A_176] : memref<50176x8xf32, #tpu.memory_space<vmem_shared>> -> memref<50176x8xf32, #tpu.memory_space<vmem_shared>>
        tpu.enqueue_indirect_dma source(%arg11 : memref<128x8xf32, #tpu.memory_space<vmem>>) target(%dma_start3A_177 : memref<50176x8xf32, #tpu.memory_space<vmem_shared>>) offsets(%dma_start3A_174 : memref<128xi32, #tpu.memory_space<vmem>>) semaphore(%run_scoped3A : memref<!tpu.dma_semaphore, #tpu.memory_space<semaphore_mem>>) {add = true}
        %dma_wait3A_178 = tpu.memref_slice %arg9[%mul3A_173] : memref<25088xi32, #tpu.memory_space<vmem>> -> memref<128xi32, #tpu.memory_space<vmem>>
        %dma_wait3A_179 = arith.constant 0 : i32
        %dma_wait3A_180 = arith.constant 0 : i32
        %dma_wait3A_181 = tpu.memref_slice %arg16[%dma_wait3A_179, %dma_wait3A_180] : memref<50176x8xf32, #tpu.memory_space<vmem_shared>> -> memref<50176x8xf32, #tpu.memory_space<vmem_shared>>
        tpu.wait_indirect_dma semaphore(%run_scoped3A : memref<!tpu.dma_semaphore, #tpu.memory_space<semaphore_mem>>) src(%arg11 : memref<128x8xf32, #tpu.memory_space<vmem>>) dst(%dma_wait3A_181 : memref<50176x8xf32, #tpu.memory_space<vmem_shared>>)
        tpu.yield
      }) : () -> ()
    } else {
    }
    %add3A_144 = arith.constant 1 : i32
    %add3A_145 = arith.addi %mul3A_138, %add3A_144 : i32
    %lt3A_146 = arith.cmpi slt, %add3A_145, %sub3A_49 : i32
    %convert_element_type3A_147 = arith.extui %lt3A_146 : i1 to i32
    %cond3A_148 = arith.constant 0 : i32
    %cond3A_149 = arith.cmpi ne, %convert_element_type3A_147, %cond3A_148 : i32
    scf.if %cond3A_149 {
      %mul3A_167 = arith.constant 128 : i32
      %mul3A_168 = arith.muli %add3A_145, %mul3A_167 : i32
      %dma_wait3A = tpu.memref_slice %arg8[%mul3A_168] : memref<25088xi32, #tpu.memory_space<vmem>> -> memref<128xi32, #tpu.memory_space<vmem>>
      %dma_wait3A_169 = arith.constant 0 : i32
      %dma_wait3A_170 = arith.constant 0 : i32
      %dma_wait3A_171 = tpu.memref_slice %arg15[%dma_wait3A_169, %dma_wait3A_170] : memref<50176x8xf32, #tpu.memory_space<vmem_shared>> -> memref<50176x8xf32, #tpu.memory_space<vmem_shared>>
      tpu.wait_indirect_dma semaphore(%arg18 : memref<!tpu.dma_semaphore, #tpu.memory_space<semaphore_mem>>) src(%dma_wait3A_171 : memref<50176x8xf32, #tpu.memory_space<vmem_shared>>) dst(%arg12 : memref<128x8xf32, #tpu.memory_space<vmem>>)
      %mul3A_172 = arith.constant 128 : i32
      %mul3A_173 = arith.muli %add3A_145, %mul3A_172 : i32
      "tpu.region"() ({
        %run_scoped3A = tpu.sem_alloc : memref<!tpu.dma_semaphore, #tpu.memory_space<semaphore_mem>>
        %dma_start3A_174 = tpu.memref_slice %arg9[%mul3A_173] : memref<25088xi32, #tpu.memory_space<vmem>> -> memref<128xi32, #tpu.memory_space<vmem>>
        %dma_start3A_175 = arith.constant 0 : i32
        %dma_start3A_176 = arith.constant 0 : i32
        %dma_start3A_177 = tpu.memref_slice %arg16[%dma_start3A_175, %dma_start3A_176] : memref<50176x8xf32, #tpu.memory_space<vmem_shared>> -> memref<50176x8xf32, #tpu.memory_space<vmem_shared>>
        tpu.enqueue_indirect_dma source(%arg12 : memref<128x8xf32, #tpu.memory_space<vmem>>) target(%dma_start3A_177 : memref<50176x8xf32, #tpu.memory_space<vmem_shared>>) offsets(%dma_start3A_174 : memref<128xi32, #tpu.memory_space<vmem>>) semaphore(%run_scoped3A : memref<!tpu.dma_semaphore, #tpu.memory_space<semaphore_mem>>) {add = true}
        %dma_wait3A_178 = tpu.memref_slice %arg9[%mul3A_173] : memref<25088xi32, #tpu.memory_space<vmem>> -> memref<128xi32, #tpu.memory_space<vmem>>
        %dma_wait3A_179 = arith.constant 0 : i32
        %dma_wait3A_180 = arith.constant 0 : i32
        %dma_wait3A_181 = tpu.memref_slice %arg16[%dma_wait3A_179, %dma_wait3A_180] : memref<50176x8xf32, #tpu.memory_space<vmem_shared>> -> memref<50176x8xf32, #tpu.memory_space<vmem_shared>>
        tpu.wait_indirect_dma semaphore(%run_scoped3A : memref<!tpu.dma_semaphore, #tpu.memory_space<semaphore_mem>>) src(%arg12 : memref<128x8xf32, #tpu.memory_space<vmem>>) dst(%dma_wait3A_181 : memref<50176x8xf32, #tpu.memory_space<vmem_shared>>)
        tpu.yield
      }) : () -> ()
    } else {
    }
    %add3A_150 = arith.constant 2 : i32
    %add3A_151 = arith.addi %mul3A_138, %add3A_150 : i32
    %lt3A_152 = arith.cmpi slt, %add3A_151, %sub3A_49 : i32
    %convert_element_type3A_153 = arith.extui %lt3A_152 : i1 to i32
    %cond3A_154 = arith.constant 0 : i32
    %cond3A_155 = arith.cmpi ne, %convert_element_type3A_153, %cond3A_154 : i32
    scf.if %cond3A_155 {
      %mul3A_167 = arith.constant 128 : i32
      %mul3A_168 = arith.muli %add3A_151, %mul3A_167 : i32
      %dma_wait3A = tpu.memref_slice %arg8[%mul3A_168] : memref<25088xi32, #tpu.memory_space<vmem>> -> memref<128xi32, #tpu.memory_space<vmem>>
      %dma_wait3A_169 = arith.constant 0 : i32
      %dma_wait3A_170 = arith.constant 0 : i32
      %dma_wait3A_171 = tpu.memref_slice %arg15[%dma_wait3A_169, %dma_wait3A_170] : memref<50176x8xf32, #tpu.memory_space<vmem_shared>> -> memref<50176x8xf32, #tpu.memory_space<vmem_shared>>
      tpu.wait_indirect_dma semaphore(%arg19 : memref<!tpu.dma_semaphore, #tpu.memory_space<semaphore_mem>>) src(%dma_wait3A_171 : memref<50176x8xf32, #tpu.memory_space<vmem_shared>>) dst(%arg13 : memref<128x8xf32, #tpu.memory_space<vmem>>)
      %mul3A_172 = arith.constant 128 : i32
      %mul3A_173 = arith.muli %add3A_151, %mul3A_172 : i32
      "tpu.region"() ({
        %run_scoped3A = tpu.sem_alloc : memref<!tpu.dma_semaphore, #tpu.memory_space<semaphore_mem>>
        %dma_start3A_174 = tpu.memref_slice %arg9[%mul3A_173] : memref<25088xi32, #tpu.memory_space<vmem>> -> memref<128xi32, #tpu.memory_space<vmem>>
        %dma_start3A_175 = arith.constant 0 : i32
        %dma_start3A_176 = arith.constant 0 : i32
        %dma_start3A_177 = tpu.memref_slice %arg16[%dma_start3A_175, %dma_start3A_176] : memref<50176x8xf32, #tpu.memory_space<vmem_shared>> -> memref<50176x8xf32, #tpu.memory_space<vmem_shared>>
        tpu.enqueue_indirect_dma source(%arg13 : memref<128x8xf32, #tpu.memory_space<vmem>>) target(%dma_start3A_177 : memref<50176x8xf32, #tpu.memory_space<vmem_shared>>) offsets(%dma_start3A_174 : memref<128xi32, #tpu.memory_space<vmem>>) semaphore(%run_scoped3A : memref<!tpu.dma_semaphore, #tpu.memory_space<semaphore_mem>>) {add = true}
        %dma_wait3A_178 = tpu.memref_slice %arg9[%mul3A_173] : memref<25088xi32, #tpu.memory_space<vmem>> -> memref<128xi32, #tpu.memory_space<vmem>>
        %dma_wait3A_179 = arith.constant 0 : i32
        %dma_wait3A_180 = arith.constant 0 : i32
        %dma_wait3A_181 = tpu.memref_slice %arg16[%dma_wait3A_179, %dma_wait3A_180] : memref<50176x8xf32, #tpu.memory_space<vmem_shared>> -> memref<50176x8xf32, #tpu.memory_space<vmem_shared>>
        tpu.wait_indirect_dma semaphore(%run_scoped3A : memref<!tpu.dma_semaphore, #tpu.memory_space<semaphore_mem>>) src(%arg13 : memref<128x8xf32, #tpu.memory_space<vmem>>) dst(%dma_wait3A_181 : memref<50176x8xf32, #tpu.memory_space<vmem_shared>>)
        tpu.yield
      }) : () -> ()
    } else {
    }
    %barrier3A_156 = arith.constant 0 : index
    tpu.barrier barrier_id(%barrier3A_156)
    "tpu.region"() ({
      %run_scoped3A = tpu.sem_alloc : memref<!tpu.dma_semaphore, #tpu.memory_space<semaphore_mem>>
      %dma_start3A_167 = arith.constant 0 : i32
      %dma_start3A_168 = tpu.memref_slice %arg16[%mul3A_2, %dma_start3A_167] : memref<50176x8xf32, #tpu.memory_space<vmem_shared>> -> memref<3136x8xf32, #tpu.memory_space<vmem_shared>>
      %dma_start3A_169 = arith.constant 0 : i32
      %dma_start3A_170 = tpu.memref_slice %arg16[%mul3A_2, %dma_start3A_169] : memref<50176x8xf32, #tpu.memory_space<vmem_shared>> -> memref<3136x8xf32, #tpu.memory_space<vmem_shared>>
      tpu.enqueue_dma source(%dma_start3A_170 : memref<3136x8xf32, #tpu.memory_space<vmem_shared>>) target(%arg10 : memref<3136x8xf32, #tpu.memory_space<vmem>>) target_semaphore(%run_scoped3A : memref<!tpu.dma_semaphore, #tpu.memory_space<semaphore_mem>>)
      %dma_wait3A = arith.constant 0 : i32
      %dma_wait3A_171 = tpu.memref_slice %arg16[%mul3A_2, %dma_wait3A] : memref<50176x8xf32, #tpu.memory_space<vmem_shared>> -> memref<3136x8xf32, #tpu.memory_space<vmem_shared>>
      %dma_wait3A_172 = arith.constant 0 : i32
      %dma_wait3A_173 = tpu.memref_slice %arg16[%mul3A_2, %dma_wait3A_172] : memref<50176x8xf32, #tpu.memory_space<vmem_shared>> -> memref<3136x8xf32, #tpu.memory_space<vmem_shared>>
      tpu.wait_dma2 semaphore(%run_scoped3A : memref<!tpu.dma_semaphore, #tpu.memory_space<semaphore_mem>>) src(%dma_wait3A_173 : memref<3136x8xf32, #tpu.memory_space<vmem_shared>>) dst(%arg10 : memref<3136x8xf32, #tpu.memory_space<vmem>>)
      tpu.yield
    }) : () -> ()
    %eq3A_157 = arith.constant 0 : i32
    %eq3A_158 = arith.cmpi eq, %arg0, %eq3A_157 : i32
    %convert_element_type3A_159 = arith.extui %eq3A_158 : i1 to i32
    %cond3A_160 = arith.constant 0 : i32
    %cond3A_161 = arith.cmpi ne, %convert_element_type3A_159, %cond3A_160 : i32
    scf.if %cond3A_161 {
      "tpu.region"() ({
        %run_scoped3A = tpu.sem_alloc : memref<!tpu.dma_semaphore, #tpu.memory_space<semaphore_mem>>
        %dma_start3A_167 = arith.constant 0 : i32
        %dma_start3A_168 = tpu.memref_slice %arg6[%mul3A_2, %dma_start3A_167] : memref<50176x8xf32, #tpu.memory_space<hbm>> -> memref<3136x8xf32, #tpu.memory_space<hbm>>
        %dma_start3A_169 = arith.constant 0 : i32
        %dma_start3A_170 = tpu.memref_slice %arg6[%mul3A_2, %dma_start3A_169] : memref<50176x8xf32, #tpu.memory_space<hbm>> -> memref<3136x8xf32, #tpu.memory_space<hbm>>
        tpu.enqueue_dma source(%arg10 : memref<3136x8xf32, #tpu.memory_space<vmem>>) target(%dma_start3A_170 : memref<3136x8xf32, #tpu.memory_space<hbm>>) target_semaphore(%run_scoped3A : memref<!tpu.dma_semaphore, #tpu.memory_space<semaphore_mem>>)
        %dma_wait3A = arith.constant 0 : i32
        %dma_wait3A_171 = tpu.memref_slice %arg6[%mul3A_2, %dma_wait3A] : memref<50176x8xf32, #tpu.memory_space<hbm>> -> memref<3136x8xf32, #tpu.memory_space<hbm>>
        %dma_wait3A_172 = arith.constant 0 : i32
        %dma_wait3A_173 = tpu.memref_slice %arg6[%mul3A_2, %dma_wait3A_172] : memref<50176x8xf32, #tpu.memory_space<hbm>> -> memref<3136x8xf32, #tpu.memory_space<hbm>>
        tpu.wait_dma2 semaphore(%run_scoped3A : memref<!tpu.dma_semaphore, #tpu.memory_space<semaphore_mem>>) src(%arg10 : memref<3136x8xf32, #tpu.memory_space<vmem>>) dst(%dma_wait3A_173 : memref<3136x8xf32, #tpu.memory_space<hbm>>)
        tpu.yield
      }) : () -> ()
    } else {
    }
    %eq3A_162 = arith.constant 1 : i32
    %eq3A_163 = arith.cmpi eq, %arg0, %eq3A_162 : i32
    %convert_element_type3A_164 = arith.extui %eq3A_163 : i1 to i32
    %cond3A_165 = arith.constant 0 : i32
    %cond3A_166 = arith.cmpi ne, %convert_element_type3A_164, %cond3A_165 : i32
    scf.if %cond3A_166 {
      "tpu.region"() ({
        %run_scoped3A = tpu.sem_alloc : memref<!tpu.dma_semaphore, #tpu.memory_space<semaphore_mem>>
        %dma_start3A_167 = arith.constant 0 : i32
        %dma_start3A_168 = tpu.memref_slice %arg7[%mul3A_2, %dma_start3A_167] : memref<50176x8xf32, #tpu.memory_space<hbm>> -> memref<3136x8xf32, #tpu.memory_space<hbm>>
        %dma_start3A_169 = arith.constant 0 : i32
        %dma_start3A_170 = tpu.memref_slice %arg7[%mul3A_2, %dma_start3A_169] : memref<50176x8xf32, #tpu.memory_space<hbm>> -> memref<3136x8xf32, #tpu.memory_space<hbm>>
        tpu.enqueue_dma source(%arg10 : memref<3136x8xf32, #tpu.memory_space<vmem>>) target(%dma_start3A_170 : memref<3136x8xf32, #tpu.memory_space<hbm>>) target_semaphore(%run_scoped3A : memref<!tpu.dma_semaphore, #tpu.memory_space<semaphore_mem>>)
        %dma_wait3A = arith.constant 0 : i32
        %dma_wait3A_171 = tpu.memref_slice %arg7[%mul3A_2, %dma_wait3A] : memref<50176x8xf32, #tpu.memory_space<hbm>> -> memref<3136x8xf32, #tpu.memory_space<hbm>>
        %dma_wait3A_172 = arith.constant 0 : i32
        %dma_wait3A_173 = tpu.memref_slice %arg7[%mul3A_2, %dma_wait3A_172] : memref<50176x8xf32, #tpu.memory_space<hbm>> -> memref<3136x8xf32, #tpu.memory_space<hbm>>
        tpu.wait_dma2 semaphore(%run_scoped3A : memref<!tpu.dma_semaphore, #tpu.memory_space<semaphore_mem>>) src(%arg10 : memref<3136x8xf32, #tpu.memory_space<vmem>>) dst(%dma_wait3A_173 : memref<3136x8xf32, #tpu.memory_space<hbm>>)
        tpu.yield
      }) : () -> ()
    } else {
    }
    return
  }
}

#map = affine_map<(d0, d1) -> (0)>
module attributes {stable_mosaic.version = 14 : i64} {
  func.func @_degrees(%arg0: i32, %arg1: i32, %arg2: memref<800000xi32, #tpu.memory_space<hbm>>, %arg3: memref<800000xi32, #tpu.memory_space<hbm>>, %arg4: memref<800000xf32, #tpu.memory_space<hbm>>, %arg5: memref<128xf32, #tpu.memory_space<hbm>>, %arg6: memref<3136xf32, #tpu.memory_space<hbm>>, %arg7: memref<50176xf32, #tpu.memory_space<hbm>>, %arg8: memref<50176xf32, #tpu.memory_space<hbm>>, %arg9: memref<50176xf32, #tpu.memory_space<hbm>>, %arg10: memref<50176xf32, #tpu.memory_space<hbm>>, %arg11: memref<25088xi32, #tpu.memory_space<vmem>>, %arg12: memref<25088xi32, #tpu.memory_space<vmem>>, %arg13: memref<25088xf32, #tpu.memory_space<vmem>>, %arg14: memref<128xf32, #tpu.memory_space<vmem>>, %arg15: memref<3136xf32, #tpu.memory_space<vmem>>, %arg16: memref<50176xf32, #tpu.memory_space<vmem_shared>>, %arg17: memref<50176xf32, #tpu.memory_space<vmem_shared>>, %arg18: memref<!tpu.dma_semaphore, #tpu.memory_space<semaphore_mem>>, %arg19: memref<!tpu.dma_semaphore, #tpu.memory_space<semaphore_mem>>) attributes {dimension_semantics = [#tpu.dimension_semantics<core_parallel>, #tpu.dimension_semantics<subcore_parallel>], iteration_bounds = array<i64: 2, 16>, scalar_prefetch = 0 : i64, scratch_operands = 9 : i64, tpu.core_type = #tpu.core_type<sc_vector_subcore>, window_params = [{transform_indices = #map}, {transform_indices = #map}, {transform_indices = #map}, {transform_indices = #map}, {transform_indices = #map}, {transform_indices = #map}, {transform_indices = #map}, {transform_indices = #map}, {transform_indices = #map}]} {
    %mul3A = arith.constant 2 : i32
    %mul3A_0 = arith.muli %arg1, %mul3A : i32
    %add3A = arith.addi %mul3A_0, %arg0 : i32
    %mul3A_1 = arith.constant 3136 : i32
    %mul3A_2 = arith.muli %arg1, %mul3A_1 : i32
    "tpu.region"() ({
      %run_scoped3A = tpu.sem_alloc : memref<!tpu.dma_semaphore, #tpu.memory_space<semaphore_mem>>
      tpu.enqueue_dma source(%arg6 : memref<3136xf32, #tpu.memory_space<hbm>>) target(%arg15 : memref<3136xf32, #tpu.memory_space<vmem>>) target_semaphore(%run_scoped3A : memref<!tpu.dma_semaphore, #tpu.memory_space<semaphore_mem>>)
      tpu.wait_dma2 semaphore(%run_scoped3A : memref<!tpu.dma_semaphore, #tpu.memory_space<semaphore_mem>>) src(%arg6 : memref<3136xf32, #tpu.memory_space<hbm>>) dst(%arg15 : memref<3136xf32, #tpu.memory_space<vmem>>)
      tpu.yield
    }) : () -> ()
    "tpu.region"() ({
      %run_scoped3A = tpu.sem_alloc : memref<!tpu.dma_semaphore, #tpu.memory_space<semaphore_mem>>
      %dma_start3A_92 = tpu.memref_slice %arg16[%mul3A_2] : memref<50176xf32, #tpu.memory_space<vmem_shared>> -> memref<3136xf32, #tpu.memory_space<vmem_shared>>
      %dma_start3A_93 = tpu.memref_slice %arg16[%mul3A_2] : memref<50176xf32, #tpu.memory_space<vmem_shared>> -> memref<3136xf32, #tpu.memory_space<vmem_shared>>
      tpu.enqueue_dma source(%arg15 : memref<3136xf32, #tpu.memory_space<vmem>>) target(%dma_start3A_93 : memref<3136xf32, #tpu.memory_space<vmem_shared>>) target_semaphore(%run_scoped3A : memref<!tpu.dma_semaphore, #tpu.memory_space<semaphore_mem>>)
      %dma_wait3A = tpu.memref_slice %arg16[%mul3A_2] : memref<50176xf32, #tpu.memory_space<vmem_shared>> -> memref<3136xf32, #tpu.memory_space<vmem_shared>>
      %dma_wait3A_94 = tpu.memref_slice %arg16[%mul3A_2] : memref<50176xf32, #tpu.memory_space<vmem_shared>> -> memref<3136xf32, #tpu.memory_space<vmem_shared>>
      tpu.wait_dma2 semaphore(%run_scoped3A : memref<!tpu.dma_semaphore, #tpu.memory_space<semaphore_mem>>) src(%arg15 : memref<3136xf32, #tpu.memory_space<vmem>>) dst(%dma_wait3A_94 : memref<3136xf32, #tpu.memory_space<vmem_shared>>)
      tpu.yield
    }) : () -> ()
    "tpu.region"() ({
      %run_scoped3A = tpu.sem_alloc : memref<!tpu.dma_semaphore, #tpu.memory_space<semaphore_mem>>
      %dma_start3A_92 = tpu.memref_slice %arg17[%mul3A_2] : memref<50176xf32, #tpu.memory_space<vmem_shared>> -> memref<3136xf32, #tpu.memory_space<vmem_shared>>
      %dma_start3A_93 = tpu.memref_slice %arg17[%mul3A_2] : memref<50176xf32, #tpu.memory_space<vmem_shared>> -> memref<3136xf32, #tpu.memory_space<vmem_shared>>
      tpu.enqueue_dma source(%arg15 : memref<3136xf32, #tpu.memory_space<vmem>>) target(%dma_start3A_93 : memref<3136xf32, #tpu.memory_space<vmem_shared>>) target_semaphore(%run_scoped3A : memref<!tpu.dma_semaphore, #tpu.memory_space<semaphore_mem>>)
      %dma_wait3A = tpu.memref_slice %arg17[%mul3A_2] : memref<50176xf32, #tpu.memory_space<vmem_shared>> -> memref<3136xf32, #tpu.memory_space<vmem_shared>>
      %dma_wait3A_94 = tpu.memref_slice %arg17[%mul3A_2] : memref<50176xf32, #tpu.memory_space<vmem_shared>> -> memref<3136xf32, #tpu.memory_space<vmem_shared>>
      tpu.wait_dma2 semaphore(%run_scoped3A : memref<!tpu.dma_semaphore, #tpu.memory_space<semaphore_mem>>) src(%arg15 : memref<3136xf32, #tpu.memory_space<vmem>>) dst(%dma_wait3A_94 : memref<3136xf32, #tpu.memory_space<vmem_shared>>)
      tpu.yield
    }) : () -> ()
    "tpu.region"() ({
      %run_scoped3A = tpu.sem_alloc : memref<!tpu.dma_semaphore, #tpu.memory_space<semaphore_mem>>
      tpu.enqueue_dma source(%arg5 : memref<128xf32, #tpu.memory_space<hbm>>) target(%arg14 : memref<128xf32, #tpu.memory_space<vmem>>) target_semaphore(%run_scoped3A : memref<!tpu.dma_semaphore, #tpu.memory_space<semaphore_mem>>)
      tpu.wait_dma2 semaphore(%run_scoped3A : memref<!tpu.dma_semaphore, #tpu.memory_space<semaphore_mem>>) src(%arg5 : memref<128xf32, #tpu.memory_space<hbm>>) dst(%arg14 : memref<128xf32, #tpu.memory_space<vmem>>)
      tpu.yield
    }) : () -> ()
    %mul3A_3 = arith.constant 6250 : i32
    %mul3A_4 = arith.muli %add3A, %mul3A_3 : i32
    %jit3A = arith.constant 32 : i32
    %div3A = arith.divsi %mul3A_4, %jit3A : i32
    %sign3A = arith.constant 0 : i32
    %sign3A_5 = arith.cmpi sgt, %mul3A_4, %sign3A : i32
    %sign3A_6 = arith.extui %sign3A_5 : i1 to i32
    %sign3A_7 = arith.constant 0 : i32
    %sign3A_8 = arith.cmpi slt, %mul3A_4, %sign3A_7 : i32
    %sign3A_9 = arith.extui %sign3A_8 : i1 to i32
    %sign3A_10 = arith.subi %sign3A_6, %sign3A_9 : i32
    %sign3A_11 = arith.constant 0 : i32
    %sign3A_12 = arith.cmpi sgt, %jit3A, %sign3A_11 : i32
    %sign3A_13 = arith.extui %sign3A_12 : i1 to i32
    %sign3A_14 = arith.constant 0 : i32
    %sign3A_15 = arith.cmpi slt, %jit3A, %sign3A_14 : i32
    %sign3A_16 = arith.extui %sign3A_15 : i1 to i32
    %sign3A_17 = arith.subi %sign3A_13, %sign3A_16 : i32
    %ne3A = arith.cmpi ne, %sign3A_10, %sign3A_17 : i32
    %rem3A = arith.remsi %mul3A_4, %jit3A : i32
    %ne3A_18 = arith.constant 0 : i32
    %ne3A_19 = arith.cmpi ne, %rem3A, %ne3A_18 : i32
    %and3A = arith.andi %ne3A, %ne3A_19 : i1
    %sub3A = arith.constant 1 : i32
    %sub3A_20 = arith.subi %div3A, %sub3A : i32
    %select_n3A = arith.select %and3A, %sub3A_20, %div3A : i32
    %add3A_21 = arith.constant 1 : i32
    %add3A_22 = arith.addi %add3A, %add3A_21 : i32
    %mul3A_23 = arith.constant 6250 : i32
    %mul3A_24 = arith.muli %add3A_22, %mul3A_23 : i32
    %jit3A_25 = arith.constant 32 : i32
    %div3A_26 = arith.divsi %mul3A_24, %jit3A_25 : i32
    %sign3A_27 = arith.constant 0 : i32
    %sign3A_28 = arith.cmpi sgt, %mul3A_24, %sign3A_27 : i32
    %sign3A_29 = arith.extui %sign3A_28 : i1 to i32
    %sign3A_30 = arith.constant 0 : i32
    %sign3A_31 = arith.cmpi slt, %mul3A_24, %sign3A_30 : i32
    %sign3A_32 = arith.extui %sign3A_31 : i1 to i32
    %sign3A_33 = arith.subi %sign3A_29, %sign3A_32 : i32
    %sign3A_34 = arith.constant 0 : i32
    %sign3A_35 = arith.cmpi sgt, %jit3A_25, %sign3A_34 : i32
    %sign3A_36 = arith.extui %sign3A_35 : i1 to i32
    %sign3A_37 = arith.constant 0 : i32
    %sign3A_38 = arith.cmpi slt, %jit3A_25, %sign3A_37 : i32
    %sign3A_39 = arith.extui %sign3A_38 : i1 to i32
    %sign3A_40 = arith.subi %sign3A_36, %sign3A_39 : i32
    %ne3A_41 = arith.cmpi ne, %sign3A_33, %sign3A_40 : i32
    %rem3A_42 = arith.remsi %mul3A_24, %jit3A_25 : i32
    %ne3A_43 = arith.constant 0 : i32
    %ne3A_44 = arith.cmpi ne, %rem3A_42, %ne3A_43 : i32
    %and3A_45 = arith.andi %ne3A_41, %ne3A_44 : i1
    %sub3A_46 = arith.constant 1 : i32
    %sub3A_47 = arith.subi %div3A_26, %sub3A_46 : i32
    %select_n3A_48 = arith.select %and3A_45, %sub3A_47, %div3A_26 : i32
    %sub3A_49 = arith.subi %select_n3A_48, %select_n3A : i32
    %mul3A_50 = arith.constant 128 : i32
    %mul3A_51 = arith.muli %select_n3A, %mul3A_50 : i32
    "tpu.region"() ({
      %run_scoped3A = tpu.sem_alloc : memref<!tpu.dma_semaphore, #tpu.memory_space<semaphore_mem>>
      %dma_start3A_92 = tpu.memref_slice %arg2[%mul3A_51] : memref<800000xi32, #tpu.memory_space<hbm>> -> memref<25088xi32, #tpu.memory_space<hbm>>
      %dma_start3A_93 = tpu.memref_slice %arg2[%mul3A_51] : memref<800000xi32, #tpu.memory_space<hbm>> -> memref<25088xi32, #tpu.memory_space<hbm>>
      tpu.enqueue_dma source(%dma_start3A_93 : memref<25088xi32, #tpu.memory_space<hbm>>) target(%arg11 : memref<25088xi32, #tpu.memory_space<vmem>>) target_semaphore(%run_scoped3A : memref<!tpu.dma_semaphore, #tpu.memory_space<semaphore_mem>>)
      %dma_wait3A = tpu.memref_slice %arg2[%mul3A_51] : memref<800000xi32, #tpu.memory_space<hbm>> -> memref<25088xi32, #tpu.memory_space<hbm>>
      %dma_wait3A_94 = tpu.memref_slice %arg2[%mul3A_51] : memref<800000xi32, #tpu.memory_space<hbm>> -> memref<25088xi32, #tpu.memory_space<hbm>>
      tpu.wait_dma2 semaphore(%run_scoped3A : memref<!tpu.dma_semaphore, #tpu.memory_space<semaphore_mem>>) src(%dma_wait3A_94 : memref<25088xi32, #tpu.memory_space<hbm>>) dst(%arg11 : memref<25088xi32, #tpu.memory_space<vmem>>)
      tpu.yield
    }) : () -> ()
    %mul3A_52 = arith.constant 128 : i32
    %mul3A_53 = arith.muli %select_n3A, %mul3A_52 : i32
    "tpu.region"() ({
      %run_scoped3A = tpu.sem_alloc : memref<!tpu.dma_semaphore, #tpu.memory_space<semaphore_mem>>
      %dma_start3A_92 = tpu.memref_slice %arg3[%mul3A_53] : memref<800000xi32, #tpu.memory_space<hbm>> -> memref<25088xi32, #tpu.memory_space<hbm>>
      %dma_start3A_93 = tpu.memref_slice %arg3[%mul3A_53] : memref<800000xi32, #tpu.memory_space<hbm>> -> memref<25088xi32, #tpu.memory_space<hbm>>
      tpu.enqueue_dma source(%dma_start3A_93 : memref<25088xi32, #tpu.memory_space<hbm>>) target(%arg12 : memref<25088xi32, #tpu.memory_space<vmem>>) target_semaphore(%run_scoped3A : memref<!tpu.dma_semaphore, #tpu.memory_space<semaphore_mem>>)
      %dma_wait3A = tpu.memref_slice %arg3[%mul3A_53] : memref<800000xi32, #tpu.memory_space<hbm>> -> memref<25088xi32, #tpu.memory_space<hbm>>
      %dma_wait3A_94 = tpu.memref_slice %arg3[%mul3A_53] : memref<800000xi32, #tpu.memory_space<hbm>> -> memref<25088xi32, #tpu.memory_space<hbm>>
      tpu.wait_dma2 semaphore(%run_scoped3A : memref<!tpu.dma_semaphore, #tpu.memory_space<semaphore_mem>>) src(%dma_wait3A_94 : memref<25088xi32, #tpu.memory_space<hbm>>) dst(%arg12 : memref<25088xi32, #tpu.memory_space<vmem>>)
      tpu.yield
    }) : () -> ()
    %mul3A_54 = arith.constant 128 : i32
    %mul3A_55 = arith.muli %select_n3A, %mul3A_54 : i32
    "tpu.region"() ({
      %run_scoped3A = tpu.sem_alloc : memref<!tpu.dma_semaphore, #tpu.memory_space<semaphore_mem>>
      %dma_start3A_92 = tpu.memref_slice %arg4[%mul3A_55] : memref<800000xf32, #tpu.memory_space<hbm>> -> memref<25088xf32, #tpu.memory_space<hbm>>
      %dma_start3A_93 = tpu.memref_slice %arg4[%mul3A_55] : memref<800000xf32, #tpu.memory_space<hbm>> -> memref<25088xf32, #tpu.memory_space<hbm>>
      tpu.enqueue_dma source(%dma_start3A_93 : memref<25088xf32, #tpu.memory_space<hbm>>) target(%arg13 : memref<25088xf32, #tpu.memory_space<vmem>>) target_semaphore(%run_scoped3A : memref<!tpu.dma_semaphore, #tpu.memory_space<semaphore_mem>>)
      %dma_wait3A = tpu.memref_slice %arg4[%mul3A_55] : memref<800000xf32, #tpu.memory_space<hbm>> -> memref<25088xf32, #tpu.memory_space<hbm>>
      %dma_wait3A_94 = tpu.memref_slice %arg4[%mul3A_55] : memref<800000xf32, #tpu.memory_space<hbm>> -> memref<25088xf32, #tpu.memory_space<hbm>>
      tpu.wait_dma2 semaphore(%run_scoped3A : memref<!tpu.dma_semaphore, #tpu.memory_space<semaphore_mem>>) src(%dma_wait3A_94 : memref<25088xf32, #tpu.memory_space<hbm>>) dst(%arg13 : memref<25088xf32, #tpu.memory_space<vmem>>)
      tpu.yield
    }) : () -> ()
    %barrier3A = arith.constant 0 : index
    tpu.barrier barrier_id(%barrier3A)
    %dma_start3A = arith.constant 0 : i32
    %dma_start3A_56 = tpu.memref_slice %arg13[%dma_start3A] : memref<25088xf32, #tpu.memory_space<vmem>> -> memref<128xf32, #tpu.memory_space<vmem>>
    %dma_start3A_57 = arith.constant 0 : i32
    %dma_start3A_58 = tpu.memref_slice %arg11[%dma_start3A_57] : memref<25088xi32, #tpu.memory_space<vmem>> -> memref<128xi32, #tpu.memory_space<vmem>>
    %dma_start3A_59 = arith.constant 0 : i32
    %dma_start3A_60 = tpu.memref_slice %arg16[%dma_start3A_59] : memref<50176xf32, #tpu.memory_space<vmem_shared>> -> memref<50176xf32, #tpu.memory_space<vmem_shared>>
    tpu.enqueue_indirect_dma source(%dma_start3A_56 : memref<128xf32, #tpu.memory_space<vmem>>) target(%dma_start3A_60 : memref<50176xf32, #tpu.memory_space<vmem_shared>>) offsets(%dma_start3A_58 : memref<128xi32, #tpu.memory_space<vmem>>) semaphore(%arg18 : memref<!tpu.dma_semaphore, #tpu.memory_space<semaphore_mem>>) {add = true}
    %dma_start3A_61 = arith.constant 0 : i32
    %dma_start3A_62 = tpu.memref_slice %arg12[%dma_start3A_61] : memref<25088xi32, #tpu.memory_space<vmem>> -> memref<128xi32, #tpu.memory_space<vmem>>
    %dma_start3A_63 = arith.constant 0 : i32
    %dma_start3A_64 = tpu.memref_slice %arg17[%dma_start3A_63] : memref<50176xf32, #tpu.memory_space<vmem_shared>> -> memref<50176xf32, #tpu.memory_space<vmem_shared>>
    tpu.enqueue_indirect_dma source(%arg14 : memref<128xf32, #tpu.memory_space<vmem>>) target(%dma_start3A_64 : memref<50176xf32, #tpu.memory_space<vmem_shared>>) offsets(%dma_start3A_62 : memref<128xi32, #tpu.memory_space<vmem>>) semaphore(%arg19 : memref<!tpu.dma_semaphore, #tpu.memory_space<semaphore_mem>>) {add = true}
    %while3A = arith.constant 0 : i32
    %while3A_65 = arith.constant 0 : i32
    %while3A_66 = arith.subi %sub3A_49, %while3A_65 : i32
    %while3A_67 = arith.addi %while3A_65, %while3A_66 : i32
    %while3A_68 = arith.constant 1 : i32
    %while3A_69 = arith.divsi %while3A_66, %while3A_68 : i32
    %while3A_70 = arith.muli %while3A_69, %while3A_68 : i32
    %while3A_71 = arith.addi %while3A_65, %while3A_70 : i32
    %while3A_72 = arith.constant 1 : i32
    scf.for %while3A_92 = %while3A_65 to %while3A_71 step %while3A_72  : i32 {
      %add3A_93 = arith.constant 1 : i32
      %add3A_94 = arith.addi %while3A_92, %add3A_93 : i32
      %lt3A = arith.cmpi slt, %add3A_94, %sub3A_49 : i32
      %convert_element_type3A_95 = arith.extui %lt3A : i1 to i32
      %cond3A_96 = arith.constant 0 : i32
      %cond3A_97 = arith.cmpi ne, %convert_element_type3A_95, %cond3A_96 : i32
      scf.if %cond3A_97 {
        %add3A_110 = arith.constant 1 : i32
        %add3A_111 = arith.addi %while3A_92, %add3A_110 : i32
        %mul3A_112 = arith.constant 128 : i32
        %mul3A_113 = arith.muli %add3A_111, %mul3A_112 : i32
        %add3A_114 = arith.constant 1 : i32
        %add3A_115 = arith.addi %while3A_92, %add3A_114 : i32
        %mul3A_116 = arith.constant 128 : i32
        %mul3A_117 = arith.muli %add3A_115, %mul3A_116 : i32
        %dma_start3A_118 = tpu.memref_slice %arg13[%mul3A_113] : memref<25088xf32, #tpu.memory_space<vmem>> -> memref<128xf32, #tpu.memory_space<vmem>>
        %dma_start3A_119 = tpu.memref_slice %arg11[%mul3A_117] : memref<25088xi32, #tpu.memory_space<vmem>> -> memref<128xi32, #tpu.memory_space<vmem>>
        %dma_start3A_120 = arith.constant 0 : i32
        %dma_start3A_121 = tpu.memref_slice %arg16[%dma_start3A_120] : memref<50176xf32, #tpu.memory_space<vmem_shared>> -> memref<50176xf32, #tpu.memory_space<vmem_shared>>
        tpu.enqueue_indirect_dma source(%dma_start3A_118 : memref<128xf32, #tpu.memory_space<vmem>>) target(%dma_start3A_121 : memref<50176xf32, #tpu.memory_space<vmem_shared>>) offsets(%dma_start3A_119 : memref<128xi32, #tpu.memory_space<vmem>>) semaphore(%arg18 : memref<!tpu.dma_semaphore, #tpu.memory_space<semaphore_mem>>) {add = true}
        %add3A_122 = arith.constant 1 : i32
        %add3A_123 = arith.addi %while3A_92, %add3A_122 : i32
        %mul3A_124 = arith.constant 128 : i32
        %mul3A_125 = arith.muli %add3A_123, %mul3A_124 : i32
        %dma_start3A_126 = tpu.memref_slice %arg12[%mul3A_125] : memref<25088xi32, #tpu.memory_space<vmem>> -> memref<128xi32, #tpu.memory_space<vmem>>
        %dma_start3A_127 = arith.constant 0 : i32
        %dma_start3A_128 = tpu.memref_slice %arg17[%dma_start3A_127] : memref<50176xf32, #tpu.memory_space<vmem_shared>> -> memref<50176xf32, #tpu.memory_space<vmem_shared>>
        tpu.enqueue_indirect_dma source(%arg14 : memref<128xf32, #tpu.memory_space<vmem>>) target(%dma_start3A_128 : memref<50176xf32, #tpu.memory_space<vmem_shared>>) offsets(%dma_start3A_126 : memref<128xi32, #tpu.memory_space<vmem>>) semaphore(%arg19 : memref<!tpu.dma_semaphore, #tpu.memory_space<semaphore_mem>>) {add = true}
      } else {
      }
      %mul3A_98 = arith.constant 128 : i32
      %mul3A_99 = arith.muli %while3A_92, %mul3A_98 : i32
      %mul3A_100 = arith.constant 128 : i32
      %mul3A_101 = arith.muli %while3A_92, %mul3A_100 : i32
      %dma_wait3A = tpu.memref_slice %arg13[%mul3A_99] : memref<25088xf32, #tpu.memory_space<vmem>> -> memref<128xf32, #tpu.memory_space<vmem>>
      %dma_wait3A_102 = tpu.memref_slice %arg11[%mul3A_101] : memref<25088xi32, #tpu.memory_space<vmem>> -> memref<128xi32, #tpu.memory_space<vmem>>
      %dma_wait3A_103 = arith.constant 0 : i32
      %dma_wait3A_104 = tpu.memref_slice %arg16[%dma_wait3A_103] : memref<50176xf32, #tpu.memory_space<vmem_shared>> -> memref<50176xf32, #tpu.memory_space<vmem_shared>>
      tpu.wait_indirect_dma semaphore(%arg18 : memref<!tpu.dma_semaphore, #tpu.memory_space<semaphore_mem>>) src(%dma_wait3A : memref<128xf32, #tpu.memory_space<vmem>>) dst(%dma_wait3A_104 : memref<50176xf32, #tpu.memory_space<vmem_shared>>)
      %mul3A_105 = arith.constant 128 : i32
      %mul3A_106 = arith.muli %while3A_92, %mul3A_105 : i32
      %dma_wait3A_107 = tpu.memref_slice %arg12[%mul3A_106] : memref<25088xi32, #tpu.memory_space<vmem>> -> memref<128xi32, #tpu.memory_space<vmem>>
      %dma_wait3A_108 = arith.constant 0 : i32
      %dma_wait3A_109 = tpu.memref_slice %arg17[%dma_wait3A_108] : memref<50176xf32, #tpu.memory_space<vmem_shared>> -> memref<50176xf32, #tpu.memory_space<vmem_shared>>
      tpu.wait_indirect_dma semaphore(%arg19 : memref<!tpu.dma_semaphore, #tpu.memory_space<semaphore_mem>>) src(%arg14 : memref<128xf32, #tpu.memory_space<vmem>>) dst(%dma_wait3A_109 : memref<50176xf32, #tpu.memory_space<vmem_shared>>)
    }
    %while3A_73 = arith.constant 1 : i32
    scf.for %while3A_92 = %while3A_71 to %while3A_67 step %while3A_73  : i32 {
      %add3A_93 = arith.constant 1 : i32
      %add3A_94 = arith.addi %while3A_92, %add3A_93 : i32
      %lt3A = arith.cmpi slt, %add3A_94, %sub3A_49 : i32
      %convert_element_type3A_95 = arith.extui %lt3A : i1 to i32
      %cond3A_96 = arith.constant 0 : i32
      %cond3A_97 = arith.cmpi ne, %convert_element_type3A_95, %cond3A_96 : i32
      scf.if %cond3A_97 {
        %add3A_110 = arith.constant 1 : i32
        %add3A_111 = arith.addi %while3A_92, %add3A_110 : i32
        %mul3A_112 = arith.constant 128 : i32
        %mul3A_113 = arith.muli %add3A_111, %mul3A_112 : i32
        %add3A_114 = arith.constant 1 : i32
        %add3A_115 = arith.addi %while3A_92, %add3A_114 : i32
        %mul3A_116 = arith.constant 128 : i32
        %mul3A_117 = arith.muli %add3A_115, %mul3A_116 : i32
        %dma_start3A_118 = tpu.memref_slice %arg13[%mul3A_113] : memref<25088xf32, #tpu.memory_space<vmem>> -> memref<128xf32, #tpu.memory_space<vmem>>
        %dma_start3A_119 = tpu.memref_slice %arg11[%mul3A_117] : memref<25088xi32, #tpu.memory_space<vmem>> -> memref<128xi32, #tpu.memory_space<vmem>>
        %dma_start3A_120 = arith.constant 0 : i32
        %dma_start3A_121 = tpu.memref_slice %arg16[%dma_start3A_120] : memref<50176xf32, #tpu.memory_space<vmem_shared>> -> memref<50176xf32, #tpu.memory_space<vmem_shared>>
        tpu.enqueue_indirect_dma source(%dma_start3A_118 : memref<128xf32, #tpu.memory_space<vmem>>) target(%dma_start3A_121 : memref<50176xf32, #tpu.memory_space<vmem_shared>>) offsets(%dma_start3A_119 : memref<128xi32, #tpu.memory_space<vmem>>) semaphore(%arg18 : memref<!tpu.dma_semaphore, #tpu.memory_space<semaphore_mem>>) {add = true}
        %add3A_122 = arith.constant 1 : i32
        %add3A_123 = arith.addi %while3A_92, %add3A_122 : i32
        %mul3A_124 = arith.constant 128 : i32
        %mul3A_125 = arith.muli %add3A_123, %mul3A_124 : i32
        %dma_start3A_126 = tpu.memref_slice %arg12[%mul3A_125] : memref<25088xi32, #tpu.memory_space<vmem>> -> memref<128xi32, #tpu.memory_space<vmem>>
        %dma_start3A_127 = arith.constant 0 : i32
        %dma_start3A_128 = tpu.memref_slice %arg17[%dma_start3A_127] : memref<50176xf32, #tpu.memory_space<vmem_shared>> -> memref<50176xf32, #tpu.memory_space<vmem_shared>>
        tpu.enqueue_indirect_dma source(%arg14 : memref<128xf32, #tpu.memory_space<vmem>>) target(%dma_start3A_128 : memref<50176xf32, #tpu.memory_space<vmem_shared>>) offsets(%dma_start3A_126 : memref<128xi32, #tpu.memory_space<vmem>>) semaphore(%arg19 : memref<!tpu.dma_semaphore, #tpu.memory_space<semaphore_mem>>) {add = true}
      } else {
      }
      %mul3A_98 = arith.constant 128 : i32
      %mul3A_99 = arith.muli %while3A_92, %mul3A_98 : i32
      %mul3A_100 = arith.constant 128 : i32
      %mul3A_101 = arith.muli %while3A_92, %mul3A_100 : i32
      %dma_wait3A = tpu.memref_slice %arg13[%mul3A_99] : memref<25088xf32, #tpu.memory_space<vmem>> -> memref<128xf32, #tpu.memory_space<vmem>>
      %dma_wait3A_102 = tpu.memref_slice %arg11[%mul3A_101] : memref<25088xi32, #tpu.memory_space<vmem>> -> memref<128xi32, #tpu.memory_space<vmem>>
      %dma_wait3A_103 = arith.constant 0 : i32
      %dma_wait3A_104 = tpu.memref_slice %arg16[%dma_wait3A_103] : memref<50176xf32, #tpu.memory_space<vmem_shared>> -> memref<50176xf32, #tpu.memory_space<vmem_shared>>
      tpu.wait_indirect_dma semaphore(%arg18 : memref<!tpu.dma_semaphore, #tpu.memory_space<semaphore_mem>>) src(%dma_wait3A : memref<128xf32, #tpu.memory_space<vmem>>) dst(%dma_wait3A_104 : memref<50176xf32, #tpu.memory_space<vmem_shared>>)
      %mul3A_105 = arith.constant 128 : i32
      %mul3A_106 = arith.muli %while3A_92, %mul3A_105 : i32
      %dma_wait3A_107 = tpu.memref_slice %arg12[%mul3A_106] : memref<25088xi32, #tpu.memory_space<vmem>> -> memref<128xi32, #tpu.memory_space<vmem>>
      %dma_wait3A_108 = arith.constant 0 : i32
      %dma_wait3A_109 = tpu.memref_slice %arg17[%dma_wait3A_108] : memref<50176xf32, #tpu.memory_space<vmem_shared>> -> memref<50176xf32, #tpu.memory_space<vmem_shared>>
      tpu.wait_indirect_dma semaphore(%arg19 : memref<!tpu.dma_semaphore, #tpu.memory_space<semaphore_mem>>) src(%arg14 : memref<128xf32, #tpu.memory_space<vmem>>) dst(%dma_wait3A_109 : memref<50176xf32, #tpu.memory_space<vmem_shared>>)
    }
    %barrier3A_74 = arith.constant 0 : index
    tpu.barrier barrier_id(%barrier3A_74)
    "tpu.region"() ({
      %run_scoped3A = tpu.sem_alloc : memref<!tpu.dma_semaphore, #tpu.memory_space<semaphore_mem>>
      %dma_start3A_92 = tpu.memref_slice %arg16[%mul3A_2] : memref<50176xf32, #tpu.memory_space<vmem_shared>> -> memref<3136xf32, #tpu.memory_space<vmem_shared>>
      %dma_start3A_93 = tpu.memref_slice %arg16[%mul3A_2] : memref<50176xf32, #tpu.memory_space<vmem_shared>> -> memref<3136xf32, #tpu.memory_space<vmem_shared>>
      tpu.enqueue_dma source(%dma_start3A_93 : memref<3136xf32, #tpu.memory_space<vmem_shared>>) target(%arg15 : memref<3136xf32, #tpu.memory_space<vmem>>) target_semaphore(%run_scoped3A : memref<!tpu.dma_semaphore, #tpu.memory_space<semaphore_mem>>)
      %dma_wait3A = tpu.memref_slice %arg16[%mul3A_2] : memref<50176xf32, #tpu.memory_space<vmem_shared>> -> memref<3136xf32, #tpu.memory_space<vmem_shared>>
      %dma_wait3A_94 = tpu.memref_slice %arg16[%mul3A_2] : memref<50176xf32, #tpu.memory_space<vmem_shared>> -> memref<3136xf32, #tpu.memory_space<vmem_shared>>
      tpu.wait_dma2 semaphore(%run_scoped3A : memref<!tpu.dma_semaphore, #tpu.memory_space<semaphore_mem>>) src(%dma_wait3A_94 : memref<3136xf32, #tpu.memory_space<vmem_shared>>) dst(%arg15 : memref<3136xf32, #tpu.memory_space<vmem>>)
      tpu.yield
    }) : () -> ()
    %eq3A = arith.constant 0 : i32
    %eq3A_75 = arith.cmpi eq, %arg0, %eq3A : i32
    %convert_element_type3A = arith.extui %eq3A_75 : i1 to i32
    %cond3A = arith.constant 0 : i32
    %cond3A_76 = arith.cmpi ne, %convert_element_type3A, %cond3A : i32
    scf.if %cond3A_76 {
      "tpu.region"() ({
        %run_scoped3A = tpu.sem_alloc : memref<!tpu.dma_semaphore, #tpu.memory_space<semaphore_mem>>
        %dma_start3A_92 = tpu.memref_slice %arg7[%mul3A_2] : memref<50176xf32, #tpu.memory_space<hbm>> -> memref<3136xf32, #tpu.memory_space<hbm>>
        %dma_start3A_93 = tpu.memref_slice %arg7[%mul3A_2] : memref<50176xf32, #tpu.memory_space<hbm>> -> memref<3136xf32, #tpu.memory_space<hbm>>
        tpu.enqueue_dma source(%arg15 : memref<3136xf32, #tpu.memory_space<vmem>>) target(%dma_start3A_93 : memref<3136xf32, #tpu.memory_space<hbm>>) target_semaphore(%run_scoped3A : memref<!tpu.dma_semaphore, #tpu.memory_space<semaphore_mem>>)
        %dma_wait3A = tpu.memref_slice %arg7[%mul3A_2] : memref<50176xf32, #tpu.memory_space<hbm>> -> memref<3136xf32, #tpu.memory_space<hbm>>
        %dma_wait3A_94 = tpu.memref_slice %arg7[%mul3A_2] : memref<50176xf32, #tpu.memory_space<hbm>> -> memref<3136xf32, #tpu.memory_space<hbm>>
        tpu.wait_dma2 semaphore(%run_scoped3A : memref<!tpu.dma_semaphore, #tpu.memory_space<semaphore_mem>>) src(%arg15 : memref<3136xf32, #tpu.memory_space<vmem>>) dst(%dma_wait3A_94 : memref<3136xf32, #tpu.memory_space<hbm>>)
        tpu.yield
      }) : () -> ()
    } else {
    }
    %eq3A_77 = arith.constant 1 : i32
    %eq3A_78 = arith.cmpi eq, %arg0, %eq3A_77 : i32
    %convert_element_type3A_79 = arith.extui %eq3A_78 : i1 to i32
    %cond3A_80 = arith.constant 0 : i32
    %cond3A_81 = arith.cmpi ne, %convert_element_type3A_79, %cond3A_80 : i32
    scf.if %cond3A_81 {
      "tpu.region"() ({
        %run_scoped3A = tpu.sem_alloc : memref<!tpu.dma_semaphore, #tpu.memory_space<semaphore_mem>>
        %dma_start3A_92 = tpu.memref_slice %arg8[%mul3A_2] : memref<50176xf32, #tpu.memory_space<hbm>> -> memref<3136xf32, #tpu.memory_space<hbm>>
        %dma_start3A_93 = tpu.memref_slice %arg8[%mul3A_2] : memref<50176xf32, #tpu.memory_space<hbm>> -> memref<3136xf32, #tpu.memory_space<hbm>>
        tpu.enqueue_dma source(%arg15 : memref<3136xf32, #tpu.memory_space<vmem>>) target(%dma_start3A_93 : memref<3136xf32, #tpu.memory_space<hbm>>) target_semaphore(%run_scoped3A : memref<!tpu.dma_semaphore, #tpu.memory_space<semaphore_mem>>)
        %dma_wait3A = tpu.memref_slice %arg8[%mul3A_2] : memref<50176xf32, #tpu.memory_space<hbm>> -> memref<3136xf32, #tpu.memory_space<hbm>>
        %dma_wait3A_94 = tpu.memref_slice %arg8[%mul3A_2] : memref<50176xf32, #tpu.memory_space<hbm>> -> memref<3136xf32, #tpu.memory_space<hbm>>
        tpu.wait_dma2 semaphore(%run_scoped3A : memref<!tpu.dma_semaphore, #tpu.memory_space<semaphore_mem>>) src(%arg15 : memref<3136xf32, #tpu.memory_space<vmem>>) dst(%dma_wait3A_94 : memref<3136xf32, #tpu.memory_space<hbm>>)
        tpu.yield
      }) : () -> ()
    } else {
    }
    "tpu.region"() ({
      %run_scoped3A = tpu.sem_alloc : memref<!tpu.dma_semaphore, #tpu.memory_space<semaphore_mem>>
      %dma_start3A_92 = tpu.memref_slice %arg17[%mul3A_2] : memref<50176xf32, #tpu.memory_space<vmem_shared>> -> memref<3136xf32, #tpu.memory_space<vmem_shared>>
      %dma_start3A_93 = tpu.memref_slice %arg17[%mul3A_2] : memref<50176xf32, #tpu.memory_space<vmem_shared>> -> memref<3136xf32, #tpu.memory_space<vmem_shared>>
      tpu.enqueue_dma source(%dma_start3A_93 : memref<3136xf32, #tpu.memory_space<vmem_shared>>) target(%arg15 : memref<3136xf32, #tpu.memory_space<vmem>>) target_semaphore(%run_scoped3A : memref<!tpu.dma_semaphore, #tpu.memory_space<semaphore_mem>>)
      %dma_wait3A = tpu.memref_slice %arg17[%mul3A_2] : memref<50176xf32, #tpu.memory_space<vmem_shared>> -> memref<3136xf32, #tpu.memory_space<vmem_shared>>
      %dma_wait3A_94 = tpu.memref_slice %arg17[%mul3A_2] : memref<50176xf32, #tpu.memory_space<vmem_shared>> -> memref<3136xf32, #tpu.memory_space<vmem_shared>>
      tpu.wait_dma2 semaphore(%run_scoped3A : memref<!tpu.dma_semaphore, #tpu.memory_space<semaphore_mem>>) src(%dma_wait3A_94 : memref<3136xf32, #tpu.memory_space<vmem_shared>>) dst(%arg15 : memref<3136xf32, #tpu.memory_space<vmem>>)
      tpu.yield
    }) : () -> ()
    %eq3A_82 = arith.constant 0 : i32
    %eq3A_83 = arith.cmpi eq, %arg0, %eq3A_82 : i32
    %convert_element_type3A_84 = arith.extui %eq3A_83 : i1 to i32
    %cond3A_85 = arith.constant 0 : i32
    %cond3A_86 = arith.cmpi ne, %convert_element_type3A_84, %cond3A_85 : i32
    scf.if %cond3A_86 {
      "tpu.region"() ({
        %run_scoped3A = tpu.sem_alloc : memref<!tpu.dma_semaphore, #tpu.memory_space<semaphore_mem>>
        %dma_start3A_92 = tpu.memref_slice %arg9[%mul3A_2] : memref<50176xf32, #tpu.memory_space<hbm>> -> memref<3136xf32, #tpu.memory_space<hbm>>
        %dma_start3A_93 = tpu.memref_slice %arg9[%mul3A_2] : memref<50176xf32, #tpu.memory_space<hbm>> -> memref<3136xf32, #tpu.memory_space<hbm>>
        tpu.enqueue_dma source(%arg15 : memref<3136xf32, #tpu.memory_space<vmem>>) target(%dma_start3A_93 : memref<3136xf32, #tpu.memory_space<hbm>>) target_semaphore(%run_scoped3A : memref<!tpu.dma_semaphore, #tpu.memory_space<semaphore_mem>>)
        %dma_wait3A = tpu.memref_slice %arg9[%mul3A_2] : memref<50176xf32, #tpu.memory_space<hbm>> -> memref<3136xf32, #tpu.memory_space<hbm>>
        %dma_wait3A_94 = tpu.memref_slice %arg9[%mul3A_2] : memref<50176xf32, #tpu.memory_space<hbm>> -> memref<3136xf32, #tpu.memory_space<hbm>>
        tpu.wait_dma2 semaphore(%run_scoped3A : memref<!tpu.dma_semaphore, #tpu.memory_space<semaphore_mem>>) src(%arg15 : memref<3136xf32, #tpu.memory_space<vmem>>) dst(%dma_wait3A_94 : memref<3136xf32, #tpu.memory_space<hbm>>)
        tpu.yield
      }) : () -> ()
    } else {
    }
    %eq3A_87 = arith.constant 1 : i32
    %eq3A_88 = arith.cmpi eq, %arg0, %eq3A_87 : i32
    %convert_element_type3A_89 = arith.extui %eq3A_88 : i1 to i32
    %cond3A_90 = arith.constant 0 : i32
    %cond3A_91 = arith.cmpi ne, %convert_element_type3A_89, %cond3A_90 : i32
    scf.if %cond3A_91 {
      "tpu.region"() ({
        %run_scoped3A = tpu.sem_alloc : memref<!tpu.dma_semaphore, #tpu.memory_space<semaphore_mem>>
        %dma_start3A_92 = tpu.memref_slice %arg10[%mul3A_2] : memref<50176xf32, #tpu.memory_space<hbm>> -> memref<3136xf32, #tpu.memory_space<hbm>>
        %dma_start3A_93 = tpu.memref_slice %arg10[%mul3A_2] : memref<50176xf32, #tpu.memory_space<hbm>> -> memref<3136xf32, #tpu.memory_space<hbm>>
        tpu.enqueue_dma source(%arg15 : memref<3136xf32, #tpu.memory_space<vmem>>) target(%dma_start3A_93 : memref<3136xf32, #tpu.memory_space<hbm>>) target_semaphore(%run_scoped3A : memref<!tpu.dma_semaphore, #tpu.memory_space<semaphore_mem>>)
        %dma_wait3A = tpu.memref_slice %arg10[%mul3A_2] : memref<50176xf32, #tpu.memory_space<hbm>> -> memref<3136xf32, #tpu.memory_space<hbm>>
        %dma_wait3A_94 = tpu.memref_slice %arg10[%mul3A_2] : memref<50176xf32, #tpu.memory_space<hbm>> -> memref<3136xf32, #tpu.memory_space<hbm>>
        tpu.wait_dma2 semaphore(%run_scoped3A : memref<!tpu.dma_semaphore, #tpu.memory_space<semaphore_mem>>) src(%arg15 : memref<3136xf32, #tpu.memory_space<vmem>>) dst(%dma_wait3A_94 : memref<3136xf32, #tpu.memory_space<hbm>>)
        tpu.yield
      }) : () -> ()
    } else {
    }
    return
  }
}

module attributes {stable_mosaic.version = 14 : i64} {
  func.func @_split_body(%arg0: i32, %arg1: memref<2x131072xi32, #tpu.memory_space<vmem>>, %arg2: memref<131072xi32, #tpu.memory_space<vmem>>, %arg3: memref<131072xi32, #tpu.memory_space<vmem>>) attributes {dimension_semantics = [#tpu.dimension_semantics<arbitrary>], iteration_bounds = array<i64: 7>, scalar_prefetch = 0 : i64, scratch_operands = 0 : i64, tpu.core_type = #tpu.core_type<tc>, window_params = [{transform_indices = @transform_0, window_bounds = array<i64: 2, 131072>}, {transform_indices = @transform_1, window_bounds = array<i64: 131072>}, {transform_indices = @transform_2, window_bounds = array<i64: 131072>}]} {
    %get3A = arith.constant 0 : index
    %get3A_0 = arith.constant 0 : index
    %get3A_1 = vector.load %arg1[%get3A, %get3A_0] : memref<2x131072xi32, #tpu.memory_space<vmem>>, vector<1x131072xi32>
    %get3A_2 = vector.shape_cast %get3A_1 : vector<1x131072xi32> to vector<131072xi32>
    %swap3A = arith.constant 0 : index
    %swap3A_3 = vector.load %arg2[%swap3A] : memref<131072xi32, #tpu.memory_space<vmem>>, vector<131072xi32>
    tpu.vector_store %arg2[%swap3A], %get3A_2 {strides = array<i32>} : memref<131072xi32, #tpu.memory_space<vmem>>, vector<131072xi32>,
    %get3A_4 = arith.constant 1 : index
    %get3A_5 = arith.constant 0 : index
    %get3A_6 = vector.load %arg1[%get3A_4, %get3A_5] : memref<2x131072xi32, #tpu.memory_space<vmem>>, vector<1x131072xi32>
    %get3A_7 = vector.shape_cast %get3A_6 : vector<1x131072xi32> to vector<131072xi32>
    %swap3A_8 = arith.constant 0 : index
    %swap3A_9 = vector.load %arg3[%swap3A_8] : memref<131072xi32, #tpu.memory_space<vmem>>, vector<131072xi32>
    tpu.vector_store %arg3[%swap3A_8], %get3A_7 {strides = array<i32>} : memref<131072xi32, #tpu.memory_space<vmem>>, vector<131072xi32>,
    return
  }
  func.func @transform_0(%arg0: i32) -> (i32, i32) {
    %c0_i32 = arith.constant 0 : i32
    %c0_i32_0 = arith.constant 0 : i32
    return %c0_i32, %arg0 : i32, i32
  }
  func.func @transform_1(%arg0: i32) -> i32 {
    %c0_i32 = arith.constant 0 : i32
    return %arg0 : i32
  }
  func.func @transform_2(%arg0: i32) -> i32 {
    %c0_i32 = arith.constant 0 : i32
    return %arg0 : i32
  }
}

module attributes {stable_mosaic.version = 14 : i64} {
  func.func @_xmean_body(%arg0: i32, %arg1: memref<12x8x7168xf32, #tpu.memory_space<vmem>>, %arg2: memref<8x7168xf32, #tpu.memory_space<vmem>>) attributes {dimension_semantics = [#tpu.dimension_semantics<arbitrary>], iteration_bounds = array<i64: 7>, scalar_prefetch = 0 : i64, scratch_operands = 0 : i64, tpu.core_type = #tpu.core_type<tc>, window_params = [{transform_indices = @transform_0, window_bounds = array<i64: 12, 8, 7168>}, {transform_indices = @transform_1, window_bounds = array<i64: 8, 7168>}]} {
    %get3A = arith.constant 0 : index
    %get3A_0 = arith.constant 0 : index
    %get3A_1 = arith.constant 0 : index
    %get3A_2 = vector.load %arg1[%get3A, %get3A_0, %get3A_1] : memref<12x8x7168xf32, #tpu.memory_space<vmem>>, vector<12x8x7168xf32>
    %reduce_sum3A = arith.constant dense<0.000000e+00> : vector<8x7168xf32>
    %reduce_sum3A_3 = vector.multi_reduction <add>, %get3A_2, %reduce_sum3A [0] : vector<12x8x7168xf32> to vector<8x7168xf32>
    %mul3A = arith.constant 0.0833333358 : f32
    %mul3A_4 = vector.broadcast %mul3A : f32 to vector<8x7168xf32>
    %mul3A_5 = arith.mulf %reduce_sum3A_3, %mul3A_4 : vector<8x7168xf32>
    %swap3A = arith.constant 0 : index
    %swap3A_6 = arith.constant 0 : index
    %swap3A_7 = vector.load %arg2[%swap3A, %swap3A_6] : memref<8x7168xf32, #tpu.memory_space<vmem>>, vector<8x7168xf32>
    tpu.vector_store %arg2[%swap3A, %swap3A_6], %mul3A_5 {strides = array<i32>} : memref<8x7168xf32, #tpu.memory_space<vmem>>, vector<8x7168xf32>,
    return
  }
  func.func @transform_0(%arg0: i32) -> (i32, i32, i32) {
    %c0_i32 = arith.constant 0 : i32
    %c0_i32_0 = arith.constant 0 : i32
    %c0_i32_1 = arith.constant 0 : i32
    return %c0_i32, %c0_i32_0, %arg0 : i32, i32, i32
  }
  func.func @transform_1(%arg0: i32) -> (i32, i32) {
    %c0_i32 = arith.constant 0 : i32
    %c0_i32_0 = arith.constant 0 : i32
    return %c0_i32, %arg0 : i32, i32
  }
}

module attributes {stable_mosaic.version = 14 : i64} {
  func.func @_scale_body(%arg0: i32, %arg1: memref<8x7168xf32, #tpu.memory_space<vmem>>, %arg2: memref<7168xf32, #tpu.memory_space<vmem>>, %arg3: memref<7168xf32, #tpu.memory_space<vmem>>, %arg4: memref<7168xf32, #tpu.memory_space<vmem>>, %arg5: memref<7168xf32, #tpu.memory_space<vmem>>, %arg6: memref<8x7168xf32, #tpu.memory_space<vmem>>, %arg7: memref<7168xf32, #tpu.memory_space<vmem>>) attributes {dimension_semantics = [#tpu.dimension_semantics<arbitrary>], iteration_bounds = array<i64: 7>, scalar_prefetch = 0 : i64, scratch_operands = 0 : i64, tpu.core_type = #tpu.core_type<tc>, window_params = [{transform_indices = @transform_0, window_bounds = array<i64: 8, 7168>}, {transform_indices = @transform_1, window_bounds = array<i64: 7168>}, {transform_indices = @transform_2, window_bounds = array<i64: 7168>}, {transform_indices = @transform_3, window_bounds = array<i64: 7168>}, {transform_indices = @transform_4, window_bounds = array<i64: 7168>}, {transform_indices = @transform_5, window_bounds = array<i64: 8, 7168>}, {transform_indices = @transform_6, window_bounds = array<i64: 7168>}]} {
    %get3A = arith.constant 0 : index
    %get3A_0 = vector.load %arg2[%get3A] : memref<7168xf32, #tpu.memory_space<vmem>>, vector<7168xf32>
    %get3A_1 = arith.constant 0 : index
    %get3A_2 = vector.load %arg3[%get3A_1] : memref<7168xf32, #tpu.memory_space<vmem>>, vector<7168xf32>
    %add3A = arith.addf %get3A_0, %get3A_2 : vector<7168xf32>
    %add3A_3 = arith.constant 1.000000e-03 : f32
    %add3A_4 = vector.broadcast %add3A_3 : f32 to vector<7168xf32>
    %add3A_5 = arith.addf %add3A, %add3A_4 : vector<7168xf32>
    %div3A = arith.constant 1.000000e+00 : f32
    %div3A_6 = vector.broadcast %div3A : f32 to vector<7168xf32>
    %div3A_7 = arith.divf %div3A_6, %add3A_5 : vector<7168xf32>
    %get3A_8 = arith.constant 0 : index
    %get3A_9 = vector.load %arg4[%get3A_8] : memref<7168xf32, #tpu.memory_space<vmem>>, vector<7168xf32>
    %get3A_10 = arith.constant 0 : index
    %get3A_11 = vector.load %arg5[%get3A_10] : memref<7168xf32, #tpu.memory_space<vmem>>, vector<7168xf32>
    %add3A_12 = arith.addf %get3A_9, %get3A_11 : vector<7168xf32>
    %add3A_13 = arith.constant 1.000000e+00 : f32
    %add3A_14 = vector.broadcast %add3A_13 : f32 to vector<7168xf32>
    %add3A_15 = arith.addf %add3A_12, %add3A_14 : vector<7168xf32>
    %rsqrt3A = math.rsqrt %add3A_15 : vector<7168xf32>
    %swap3A = arith.constant 0 : index
    %swap3A_16 = vector.load %arg7[%swap3A] : memref<7168xf32, #tpu.memory_space<vmem>>, vector<7168xf32>
    tpu.vector_store %arg7[%swap3A], %rsqrt3A {strides = array<i32>} : memref<7168xf32, #tpu.memory_space<vmem>>, vector<7168xf32>,
    %get3A_17 = arith.constant 0 : index
    %get3A_18 = arith.constant 0 : index
    %get3A_19 = vector.load %arg1[%get3A_17, %get3A_18] : memref<8x7168xf32, #tpu.memory_space<vmem>>, vector<8x7168xf32>
    %mul3A = arith.mulf %div3A_7, %rsqrt3A : vector<7168xf32>
    %broadcast_in_dim3A = vector.shape_cast %mul3A : vector<7168xf32> to vector<1x7168xf32>
    %mul3A_20 = vector.broadcast %broadcast_in_dim3A : vector<1x7168xf32> to vector<8x7168xf32>
    %mul3A_21 = arith.mulf %get3A_19, %mul3A_20 : vector<8x7168xf32>
    %swap3A_22 = arith.constant 0 : index
    %swap3A_23 = arith.constant 0 : index
    %swap3A_24 = vector.load %arg6[%swap3A_22, %swap3A_23] : memref<8x7168xf32, #tpu.memory_space<vmem>>, vector<8x7168xf32>
    tpu.vector_store %arg6[%swap3A_22, %swap3A_23], %mul3A_21 {strides = array<i32>} : memref<8x7168xf32, #tpu.memory_space<vmem>>, vector<8x7168xf32>,
    return
  }
  func.func @transform_0(%arg0: i32) -> (i32, i32) {
    %c0_i32 = arith.constant 0 : i32
    %c0_i32_0 = arith.constant 0 : i32
    return %c0_i32, %arg0 : i32, i32
  }
  func.func @transform_1(%arg0: i32) -> i32 {
    %c0_i32 = arith.constant 0 : i32
    return %arg0 : i32
  }
  func.func @transform_2(%arg0: i32) -> i32 {
    %c0_i32 = arith.constant 0 : i32
    return %arg0 : i32
  }
  func.func @transform_3(%arg0: i32) -> i32 {
    %c0_i32 = arith.constant 0 : i32
    return %arg0 : i32
  }
  func.func @transform_4(%arg0: i32) -> i32 {
    %c0_i32 = arith.constant 0 : i32
    return %arg0 : i32
  }
  func.func @transform_5(%arg0: i32) -> (i32, i32) {
    %c0_i32 = arith.constant 0 : i32
    %c0_i32_0 = arith.constant 0 : i32
    return %c0_i32, %arg0 : i32, i32
  }
  func.func @transform_6(%arg0: i32) -> i32 {
    %c0_i32 = arith.constant 0 : i32
    return %arg0 : i32
  }
}

module attributes {stable_mosaic.version = 14 : i64} {
  func.func @_fin_body(%arg0: i32, %arg1: memref<7168x8xf32, #tpu.memory_space<vmem>>, %arg2: memref<7168x8xf32, #tpu.memory_space<vmem>>, %arg3: memref<7168xf32, #tpu.memory_space<vmem>>, %arg4: memref<1x64xf32, #tpu.memory_space<vmem>>, %arg5: memref<64xf32, #tpu.memory_space<vmem>>, %arg6: memref<64x12xf32, #tpu.memory_space<vmem>>, %arg7: memref<12xf32, #tpu.memory_space<vmem>>, %arg8: memref<8x7168xf32, #tpu.memory_space<vmem>>, %arg9: memref<8x7168xf32, #tpu.memory_space<vmem>>, %arg10: memref<8x7168xf32, #tpu.memory_space<vmem>>, %arg11: memref<8x7168xf32, #tpu.memory_space<vmem>>, %arg12: memref<8x7168xf32, #tpu.memory_space<vmem>>, %arg13: memref<8x7168xf32, #tpu.memory_space<vmem>>, %arg14: memref<8x7168xf32, #tpu.memory_space<vmem>>, %arg15: memref<8x7168xf32, #tpu.memory_space<vmem>>, %arg16: memref<8x7168xf32, #tpu.memory_space<vmem>>, %arg17: memref<8x7168xf32, #tpu.memory_space<vmem>>, %arg18: memref<8x7168xf32, #tpu.memory_space<vmem>>, %arg19: memref<8x7168xf32, #tpu.memory_space<vmem>>) attributes {dimension_semantics = [#tpu.dimension_semantics<arbitrary>], iteration_bounds = array<i64: 7>, scalar_prefetch = 0 : i64, scratch_operands = 0 : i64, tpu.core_type = #tpu.core_type<tc>, window_params = [{transform_indices = @transform_0, window_bounds = array<i64: 7168, 8>}, {transform_indices = @transform_1, window_bounds = array<i64: 7168, 8>}, {transform_indices = @transform_2, window_bounds = array<i64: 7168>}, {pipeline_mode = #tpu.pipeline_mode<synchronous>, transform_indices = @transform_3, window_bounds = array<i64: 1, 64>}, {pipeline_mode = #tpu.pipeline_mode<synchronous>, transform_indices = @transform_4, window_bounds = array<i64: 64>}, {pipeline_mode = #tpu.pipeline_mode<synchronous>, transform_indices = @transform_5, window_bounds = array<i64: 64, 12>}, {pipeline_mode = #tpu.pipeline_mode<synchronous>, transform_indices = @transform_6, window_bounds = array<i64: 12>}, {transform_indices = @transform_7, window_bounds = array<i64: 8, 7168>}, {transform_indices = @transform_8, window_bounds = array<i64: 8, 7168>}, {transform_indices = @transform_9, window_bounds = array<i64: 8, 7168>}, {transform_indices = @transform_10, window_bounds = array<i64: 8, 7168>}, {transform_indices = @transform_11, window_bounds = array<i64: 8, 7168>}, {transform_indices = @transform_12, window_bounds = array<i64: 8, 7168>}, {transform_indices = @transform_13, window_bounds = array<i64: 8, 7168>}, {transform_indices = @transform_14, window_bounds = array<i64: 8, 7168>}, {transform_indices = @transform_15, window_bounds = array<i64: 8, 7168>}, {transform_indices = @transform_16, window_bounds = array<i64: 8, 7168>}, {transform_indices = @transform_17, window_bounds = array<i64: 8, 7168>}, {transform_indices = @transform_18, window_bounds = array<i64: 8, 7168>}]} {
    %get3A = arith.constant 0 : index
    %get3A_0 = arith.constant 0 : index
    %get3A_1 = vector.load %arg1[%get3A, %get3A_0] : memref<7168x8xf32, #tpu.memory_space<vmem>>, vector<7168x8xf32>
    %get3A_2 = arith.constant 0 : index
    %get3A_3 = arith.constant 0 : index
    %get3A_4 = vector.load %arg2[%get3A_2, %get3A_3] : memref<7168x8xf32, #tpu.memory_space<vmem>>, vector<7168x8xf32>
    %add3A = arith.addf %get3A_1, %get3A_4 : vector<7168x8xf32>
    %iota3A = tpu.iota {dimensions = array<i32: 0>} : vector<8x8xi32>
    %iota3A_5 = tpu.iota {dimensions = array<i32: 1>} : vector<8x8xi32>
    %add3A_6 = arith.constant 0 : i32
    %add3A_7 = vector.broadcast %add3A_6 : i32 to vector<8x8xi32>
    %add3A_8 = arith.addi %iota3A, %add3A_7 : vector<8x8xi32>
    %eq3A = arith.cmpi eq, %add3A_8, %iota3A_5 : vector<8x8xi32>
    %convert_element_type3A = arith.extui %eq3A : vector<8x8xi1> to vector<8x8xi32>
    %convert_element_type3A_9 = arith.sitofp %convert_element_type3A : vector<8x8xi32> to vector<8x8xf32>
    %dot_general3A = arith.constant dense<0.000000e+00> : vector<8x7168xf32>
    %dot_general3A_10 = tpu.matmul %convert_element_type3A_9, %add3A, %dot_general3A {dimension_numbers = #tpu.dot_dimension_numbers<[1], [1], [0], [0], [0, 0, 1, 0], [], []>, transpose_lhs_hint = false} : vector<8x8xf32>, vector<7168x8xf32>, vector<8x7168xf32> -> vector<8x7168xf32>
    %get3A_11 = arith.constant 0 : index
    %get3A_12 = vector.load %arg3[%get3A_11] : memref<7168xf32, #tpu.memory_space<vmem>>, vector<7168xf32>
    %broadcast_in_dim3A = vector.shape_cast %get3A_12 : vector<7168xf32> to vector<1x7168xf32>
    %mul3A = vector.broadcast %broadcast_in_dim3A : vector<1x7168xf32> to vector<8x7168xf32>
    %mul3A_13 = arith.mulf %dot_general3A_10, %mul3A : vector<8x7168xf32>
    %get3A_14 = arith.constant 0 : index
    %get3A_15 = arith.constant 0 : index
    %get3A_16 = vector.load %arg4[%get3A_14, %get3A_15] : memref<1x64xf32, #tpu.memory_space<vmem>>, vector<1x64xf32>
    %get3A_17 = vector.shape_cast %get3A_16 : vector<1x64xf32> to vector<64xf32>
    %get3A_18 = arith.constant 0 : index
    %get3A_19 = arith.constant 0 : index
    %get3A_20 = vector.load %arg6[%get3A_18, %get3A_19] : memref<64x12xf32, #tpu.memory_space<vmem>>, vector<64x12xf32>
    %dot_general3A_21 = arith.constant dense<0.000000e+00> : vector<12xf32>
    %dot_general3A_22 = tpu.matmul %get3A_17, %get3A_20, %dot_general3A_21 {dimension_numbers = #tpu.dot_dimension_numbers<[0], [0], [], [1], [1, 1], [], []>, transpose_lhs_hint = false} : vector<64xf32>, vector<64x12xf32>, vector<12xf32> -> vector<12xf32>
    %get3A_23 = arith.constant 0 : index
    %get3A_24 = vector.load %arg5[%get3A_23] : memref<64xf32, #tpu.memory_space<vmem>>, vector<64xf32>
    %get3A_25 = arith.constant 0 : index
    %get3A_26 = arith.constant 0 : index
    %get3A_27 = vector.load %arg6[%get3A_25, %get3A_26] : memref<64x12xf32, #tpu.memory_space<vmem>>, vector<64x12xf32>
    %dot_general3A_28 = arith.constant dense<0.000000e+00> : vector<12xf32>
    %dot_general3A_29 = tpu.matmul %get3A_24, %get3A_27, %dot_general3A_28 {dimension_numbers = #tpu.dot_dimension_numbers<[0], [0], [], [1], [1, 1], [], []>, transpose_lhs_hint = false} : vector<64xf32>, vector<64x12xf32>, vector<12xf32> -> vector<12xf32>
    %get3A_30 = arith.constant 0 : index
    %get3A_31 = vector.load %arg7[%get3A_30] : memref<12xf32, #tpu.memory_space<vmem>>, vector<12xf32>
    %add3A_32 = arith.addf %dot_general3A_29, %get3A_31 : vector<12xf32>
    %slice3A = vector.extract_strided_slice %dot_general3A_22 {offsets = [0], sizes = [1], strides = [1]} : vector<12xf32> to vector<1xf32>
    %squeeze3A = vector.extract %slice3A[0] : f32 from vector<1xf32>
    %mul3A_33 = vector.broadcast %squeeze3A : f32 to vector<8x7168xf32>
    %mul3A_34 = arith.mulf %mul3A_13, %mul3A_33 : vector<8x7168xf32>
    %slice3A_35 = vector.extract_strided_slice %add3A_32 {offsets = [0], sizes = [1], strides = [1]} : vector<12xf32> to vector<1xf32>
    %squeeze3A_36 = vector.extract %slice3A_35[0] : f32 from vector<1xf32>
    %add3A_37 = vector.broadcast %squeeze3A_36 : f32 to vector<8x7168xf32>
    %add3A_38 = arith.addf %mul3A_34, %add3A_37 : vector<8x7168xf32>
    %swap3A = arith.constant 0 : index
    %swap3A_39 = arith.constant 0 : index
    %swap3A_40 = vector.load %arg8[%swap3A, %swap3A_39] : memref<8x7168xf32, #tpu.memory_space<vmem>>, vector<8x7168xf32>
    tpu.vector_store %arg8[%swap3A, %swap3A_39], %add3A_38 {strides = array<i32>} : memref<8x7168xf32, #tpu.memory_space<vmem>>, vector<8x7168xf32>,
    %slice3A_41 = vector.extract_strided_slice %dot_general3A_22 {offsets = [1], sizes = [1], strides = [1]} : vector<12xf32> to vector<1xf32>
    %squeeze3A_42 = vector.extract %slice3A_41[0] : f32 from vector<1xf32>
    %mul3A_43 = vector.broadcast %squeeze3A_42 : f32 to vector<8x7168xf32>
    %mul3A_44 = arith.mulf %mul3A_13, %mul3A_43 : vector<8x7168xf32>
    %slice3A_45 = vector.extract_strided_slice %add3A_32 {offsets = [1], sizes = [1], strides = [1]} : vector<12xf32> to vector<1xf32>
    %squeeze3A_46 = vector.extract %slice3A_45[0] : f32 from vector<1xf32>
    %add3A_47 = vector.broadcast %squeeze3A_46 : f32 to vector<8x7168xf32>
    %add3A_48 = arith.addf %mul3A_44, %add3A_47 : vector<8x7168xf32>
    %swap3A_49 = arith.constant 0 : index
    %swap3A_50 = arith.constant 0 : index
    %swap3A_51 = vector.load %arg9[%swap3A_49, %swap3A_50] : memref<8x7168xf32, #tpu.memory_space<vmem>>, vector<8x7168xf32>
    tpu.vector_store %arg9[%swap3A_49, %swap3A_50], %add3A_48 {strides = array<i32>} : memref<8x7168xf32, #tpu.memory_space<vmem>>, vector<8x7168xf32>,
    %slice3A_52 = vector.extract_strided_slice %dot_general3A_22 {offsets = [2], sizes = [1], strides = [1]} : vector<12xf32> to vector<1xf32>
    %squeeze3A_53 = vector.extract %slice3A_52[0] : f32 from vector<1xf32>
    %mul3A_54 = vector.broadcast %squeeze3A_53 : f32 to vector<8x7168xf32>
    %mul3A_55 = arith.mulf %mul3A_13, %mul3A_54 : vector<8x7168xf32>
    %slice3A_56 = vector.extract_strided_slice %add3A_32 {offsets = [2], sizes = [1], strides = [1]} : vector<12xf32> to vector<1xf32>
    %squeeze3A_57 = vector.extract %slice3A_56[0] : f32 from vector<1xf32>
    %add3A_58 = vector.broadcast %squeeze3A_57 : f32 to vector<8x7168xf32>
    %add3A_59 = arith.addf %mul3A_55, %add3A_58 : vector<8x7168xf32>
    %swap3A_60 = arith.constant 0 : index
    %swap3A_61 = arith.constant 0 : index
    %swap3A_62 = vector.load %arg10[%swap3A_60, %swap3A_61] : memref<8x7168xf32, #tpu.memory_space<vmem>>, vector<8x7168xf32>
    tpu.vector_store %arg10[%swap3A_60, %swap3A_61], %add3A_59 {strides = array<i32>} : memref<8x7168xf32, #tpu.memory_space<vmem>>, vector<8x7168xf32>,
    %slice3A_63 = vector.extract_strided_slice %dot_general3A_22 {offsets = [3], sizes = [1], strides = [1]} : vector<12xf32> to vector<1xf32>
    %squeeze3A_64 = vector.extract %slice3A_63[0] : f32 from vector<1xf32>
    %mul3A_65 = vector.broadcast %squeeze3A_64 : f32 to vector<8x7168xf32>
    %mul3A_66 = arith.mulf %mul3A_13, %mul3A_65 : vector<8x7168xf32>
    %slice3A_67 = vector.extract_strided_slice %add3A_32 {offsets = [3], sizes = [1], strides = [1]} : vector<12xf32> to vector<1xf32>
    %squeeze3A_68 = vector.extract %slice3A_67[0] : f32 from vector<1xf32>
    %add3A_69 = vector.broadcast %squeeze3A_68 : f32 to vector<8x7168xf32>
    %add3A_70 = arith.addf %mul3A_66, %add3A_69 : vector<8x7168xf32>
    %swap3A_71 = arith.constant 0 : index
    %swap3A_72 = arith.constant 0 : index
    %swap3A_73 = vector.load %arg11[%swap3A_71, %swap3A_72] : memref<8x7168xf32, #tpu.memory_space<vmem>>, vector<8x7168xf32>
    tpu.vector_store %arg11[%swap3A_71, %swap3A_72], %add3A_70 {strides = array<i32>} : memref<8x7168xf32, #tpu.memory_space<vmem>>, vector<8x7168xf32>,
    %slice3A_74 = vector.extract_strided_slice %dot_general3A_22 {offsets = [4], sizes = [1], strides = [1]} : vector<12xf32> to vector<1xf32>
    %squeeze3A_75 = vector.extract %slice3A_74[0] : f32 from vector<1xf32>
    %mul3A_76 = vector.broadcast %squeeze3A_75 : f32 to vector<8x7168xf32>
    %mul3A_77 = arith.mulf %mul3A_13, %mul3A_76 : vector<8x7168xf32>
    %slice3A_78 = vector.extract_strided_slice %add3A_32 {offsets = [4], sizes = [1], strides = [1]} : vector<12xf32> to vector<1xf32>
    %squeeze3A_79 = vector.extract %slice3A_78[0] : f32 from vector<1xf32>
    %add3A_80 = vector.broadcast %squeeze3A_79 : f32 to vector<8x7168xf32>
    %add3A_81 = arith.addf %mul3A_77, %add3A_80 : vector<8x7168xf32>
    %swap3A_82 = arith.constant 0 : index
    %swap3A_83 = arith.constant 0 : index
    %swap3A_84 = vector.load %arg12[%swap3A_82, %swap3A_83] : memref<8x7168xf32, #tpu.memory_space<vmem>>, vector<8x7168xf32>
    tpu.vector_store %arg12[%swap3A_82, %swap3A_83], %add3A_81 {strides = array<i32>} : memref<8x7168xf32, #tpu.memory_space<vmem>>, vector<8x7168xf32>,
    %slice3A_85 = vector.extract_strided_slice %dot_general3A_22 {offsets = [5], sizes = [1], strides = [1]} : vector<12xf32> to vector<1xf32>
    %squeeze3A_86 = vector.extract %slice3A_85[0] : f32 from vector<1xf32>
    %mul3A_87 = vector.broadcast %squeeze3A_86 : f32 to vector<8x7168xf32>
    %mul3A_88 = arith.mulf %mul3A_13, %mul3A_87 : vector<8x7168xf32>
    %slice3A_89 = vector.extract_strided_slice %add3A_32 {offsets = [5], sizes = [1], strides = [1]} : vector<12xf32> to vector<1xf32>
    %squeeze3A_90 = vector.extract %slice3A_89[0] : f32 from vector<1xf32>
    %add3A_91 = vector.broadcast %squeeze3A_90 : f32 to vector<8x7168xf32>
    %add3A_92 = arith.addf %mul3A_88, %add3A_91 : vector<8x7168xf32>
    %swap3A_93 = arith.constant 0 : index
    %swap3A_94 = arith.constant 0 : index
    %swap3A_95 = vector.load %arg13[%swap3A_93, %swap3A_94] : memref<8x7168xf32, #tpu.memory_space<vmem>>, vector<8x7168xf32>
    tpu.vector_store %arg13[%swap3A_93, %swap3A_94], %add3A_92 {strides = array<i32>} : memref<8x7168xf32, #tpu.memory_space<vmem>>, vector<8x7168xf32>,
    %slice3A_96 = vector.extract_strided_slice %dot_general3A_22 {offsets = [6], sizes = [1], strides = [1]} : vector<12xf32> to vector<1xf32>
    %squeeze3A_97 = vector.extract %slice3A_96[0] : f32 from vector<1xf32>
    %mul3A_98 = vector.broadcast %squeeze3A_97 : f32 to vector<8x7168xf32>
    %mul3A_99 = arith.mulf %mul3A_13, %mul3A_98 : vector<8x7168xf32>
    %slice3A_100 = vector.extract_strided_slice %add3A_32 {offsets = [6], sizes = [1], strides = [1]} : vector<12xf32> to vector<1xf32>
    %squeeze3A_101 = vector.extract %slice3A_100[0] : f32 from vector<1xf32>
    %add3A_102 = vector.broadcast %squeeze3A_101 : f32 to vector<8x7168xf32>
    %add3A_103 = arith.addf %mul3A_99, %add3A_102 : vector<8x7168xf32>
    %swap3A_104 = arith.constant 0 : index
    %swap3A_105 = arith.constant 0 : index
    %swap3A_106 = vector.load %arg14[%swap3A_104, %swap3A_105] : memref<8x7168xf32, #tpu.memory_space<vmem>>, vector<8x7168xf32>
    tpu.vector_store %arg14[%swap3A_104, %swap3A_105], %add3A_103 {strides = array<i32>} : memref<8x7168xf32, #tpu.memory_space<vmem>>, vector<8x7168xf32>,
    %slice3A_107 = vector.extract_strided_slice %dot_general3A_22 {offsets = [7], sizes = [1], strides = [1]} : vector<12xf32> to vector<1xf32>
    %squeeze3A_108 = vector.extract %slice3A_107[0] : f32 from vector<1xf32>
    %mul3A_109 = vector.broadcast %squeeze3A_108 : f32 to vector<8x7168xf32>
    %mul3A_110 = arith.mulf %mul3A_13, %mul3A_109 : vector<8x7168xf32>
    %slice3A_111 = vector.extract_strided_slice %add3A_32 {offsets = [7], sizes = [1], strides = [1]} : vector<12xf32> to vector<1xf32>
    %squeeze3A_112 = vector.extract %slice3A_111[0] : f32 from vector<1xf32>
    %add3A_113 = vector.broadcast %squeeze3A_112 : f32 to vector<8x7168xf32>
    %add3A_114 = arith.addf %mul3A_110, %add3A_113 : vector<8x7168xf32>
    %swap3A_115 = arith.constant 0 : index
    %swap3A_116 = arith.constant 0 : index
    %swap3A_117 = vector.load %arg15[%swap3A_115, %swap3A_116] : memref<8x7168xf32, #tpu.memory_space<vmem>>, vector<8x7168xf32>
    tpu.vector_store %arg15[%swap3A_115, %swap3A_116], %add3A_114 {strides = array<i32>} : memref<8x7168xf32, #tpu.memory_space<vmem>>, vector<8x7168xf32>,
    %slice3A_118 = vector.extract_strided_slice %dot_general3A_22 {offsets = [8], sizes = [1], strides = [1]} : vector<12xf32> to vector<1xf32>
    %squeeze3A_119 = vector.extract %slice3A_118[0] : f32 from vector<1xf32>
    %mul3A_120 = vector.broadcast %squeeze3A_119 : f32 to vector<8x7168xf32>
    %mul3A_121 = arith.mulf %mul3A_13, %mul3A_120 : vector<8x7168xf32>
    %slice3A_122 = vector.extract_strided_slice %add3A_32 {offsets = [8], sizes = [1], strides = [1]} : vector<12xf32> to vector<1xf32>
    %squeeze3A_123 = vector.extract %slice3A_122[0] : f32 from vector<1xf32>
    %add3A_124 = vector.broadcast %squeeze3A_123 : f32 to vector<8x7168xf32>
    %add3A_125 = arith.addf %mul3A_121, %add3A_124 : vector<8x7168xf32>
    %swap3A_126 = arith.constant 0 : index
    %swap3A_127 = arith.constant 0 : index
    %swap3A_128 = vector.load %arg16[%swap3A_126, %swap3A_127] : memref<8x7168xf32, #tpu.memory_space<vmem>>, vector<8x7168xf32>
    tpu.vector_store %arg16[%swap3A_126, %swap3A_127], %add3A_125 {strides = array<i32>} : memref<8x7168xf32, #tpu.memory_space<vmem>>, vector<8x7168xf32>,
    %slice3A_129 = vector.extract_strided_slice %dot_general3A_22 {offsets = [9], sizes = [1], strides = [1]} : vector<12xf32> to vector<1xf32>
    %squeeze3A_130 = vector.extract %slice3A_129[0] : f32 from vector<1xf32>
    %mul3A_131 = vector.broadcast %squeeze3A_130 : f32 to vector<8x7168xf32>
    %mul3A_132 = arith.mulf %mul3A_13, %mul3A_131 : vector<8x7168xf32>
    %slice3A_133 = vector.extract_strided_slice %add3A_32 {offsets = [9], sizes = [1], strides = [1]} : vector<12xf32> to vector<1xf32>
    %squeeze3A_134 = vector.extract %slice3A_133[0] : f32 from vector<1xf32>
    %add3A_135 = vector.broadcast %squeeze3A_134 : f32 to vector<8x7168xf32>
    %add3A_136 = arith.addf %mul3A_132, %add3A_135 : vector<8x7168xf32>
    %swap3A_137 = arith.constant 0 : index
    %swap3A_138 = arith.constant 0 : index
    %swap3A_139 = vector.load %arg17[%swap3A_137, %swap3A_138] : memref<8x7168xf32, #tpu.memory_space<vmem>>, vector<8x7168xf32>
    tpu.vector_store %arg17[%swap3A_137, %swap3A_138], %add3A_136 {strides = array<i32>} : memref<8x7168xf32, #tpu.memory_space<vmem>>, vector<8x7168xf32>,
    %slice3A_140 = vector.extract_strided_slice %dot_general3A_22 {offsets = [10], sizes = [1], strides = [1]} : vector<12xf32> to vector<1xf32>
    %squeeze3A_141 = vector.extract %slice3A_140[0] : f32 from vector<1xf32>
    %mul3A_142 = vector.broadcast %squeeze3A_141 : f32 to vector<8x7168xf32>
    %mul3A_143 = arith.mulf %mul3A_13, %mul3A_142 : vector<8x7168xf32>
    %slice3A_144 = vector.extract_strided_slice %add3A_32 {offsets = [10], sizes = [1], strides = [1]} : vector<12xf32> to vector<1xf32>
    %squeeze3A_145 = vector.extract %slice3A_144[0] : f32 from vector<1xf32>
    %add3A_146 = vector.broadcast %squeeze3A_145 : f32 to vector<8x7168xf32>
    %add3A_147 = arith.addf %mul3A_143, %add3A_146 : vector<8x7168xf32>
    %swap3A_148 = arith.constant 0 : index
    %swap3A_149 = arith.constant 0 : index
    %swap3A_150 = vector.load %arg18[%swap3A_148, %swap3A_149] : memref<8x7168xf32, #tpu.memory_space<vmem>>, vector<8x7168xf32>
    tpu.vector_store %arg18[%swap3A_148, %swap3A_149], %add3A_147 {strides = array<i32>} : memref<8x7168xf32, #tpu.memory_space<vmem>>, vector<8x7168xf32>,
    %slice3A_151 = vector.extract_strided_slice %dot_general3A_22 {offsets = [11], sizes = [1], strides = [1]} : vector<12xf32> to vector<1xf32>
    %squeeze3A_152 = vector.extract %slice3A_151[0] : f32 from vector<1xf32>
    %mul3A_153 = vector.broadcast %squeeze3A_152 : f32 to vector<8x7168xf32>
    %mul3A_154 = arith.mulf %mul3A_13, %mul3A_153 : vector<8x7168xf32>
    %slice3A_155 = vector.extract_strided_slice %add3A_32 {offsets = [11], sizes = [1], strides = [1]} : vector<12xf32> to vector<1xf32>
    %squeeze3A_156 = vector.extract %slice3A_155[0] : f32 from vector<1xf32>
    %add3A_157 = vector.broadcast %squeeze3A_156 : f32 to vector<8x7168xf32>
    %add3A_158 = arith.addf %mul3A_154, %add3A_157 : vector<8x7168xf32>
    %swap3A_159 = arith.constant 0 : index
    %swap3A_160 = arith.constant 0 : index
    %swap3A_161 = vector.load %arg19[%swap3A_159, %swap3A_160] : memref<8x7168xf32, #tpu.memory_space<vmem>>, vector<8x7168xf32>
    tpu.vector_store %arg19[%swap3A_159, %swap3A_160], %add3A_158 {strides = array<i32>} : memref<8x7168xf32, #tpu.memory_space<vmem>>, vector<8x7168xf32>,
    return
  }
  func.func @transform_0(%arg0: i32) -> (i32, i32) {
    %c0_i32 = arith.constant 0 : i32
    %c0_i32_0 = arith.constant 0 : i32
    return %arg0, %c0_i32 : i32, i32
  }
  func.func @transform_1(%arg0: i32) -> (i32, i32) {
    %c0_i32 = arith.constant 0 : i32
    %c0_i32_0 = arith.constant 0 : i32
    return %arg0, %c0_i32 : i32, i32
  }
  func.func @transform_2(%arg0: i32) -> i32 {
    %c0_i32 = arith.constant 0 : i32
    return %arg0 : i32
  }
  func.func @transform_3(%arg0: i32) -> (i32, i32) {
    %c0_i32 = arith.constant 0 : i32
    %c0_i32_0 = arith.constant 0 : i32
    %c0_i32_1 = arith.constant 0 : i32
    return %c0_i32, %c0_i32_0 : i32, i32
  }
  func.func @transform_4(%arg0: i32) -> i32 {
    %c0_i32 = arith.constant 0 : i32
    %c0_i32_0 = arith.constant 0 : i32
    return %c0_i32 : i32
  }
  func.func @transform_5(%arg0: i32) -> (i32, i32) {
    %c0_i32 = arith.constant 0 : i32
    %c0_i32_0 = arith.constant 0 : i32
    %c0_i32_1 = arith.constant 0 : i32
    return %c0_i32, %c0_i32_0 : i32, i32
  }
  func.func @transform_6(%arg0: i32) -> i32 {
    %c0_i32 = arith.constant 0 : i32
    %c0_i32_0 = arith.constant 0 : i32
    return %c0_i32 : i32
  }
  func.func @transform_7(%arg0: i32) -> (i32, i32) {
    %c0_i32 = arith.constant 0 : i32
    %c0_i32_0 = arith.constant 0 : i32
    return %c0_i32, %arg0 : i32, i32
  }
  func.func @transform_8(%arg0: i32) -> (i32, i32) {
    %c0_i32 = arith.constant 0 : i32
    %c0_i32_0 = arith.constant 0 : i32
    return %c0_i32, %arg0 : i32, i32
  }
  func.func @transform_9(%arg0: i32) -> (i32, i32) {
    %c0_i32 = arith.constant 0 : i32
    %c0_i32_0 = arith.constant 0 : i32
    return %c0_i32, %arg0 : i32, i32
  }
  func.func @transform_10(%arg0: i32) -> (i32, i32) {
    %c0_i32 = arith.constant 0 : i32
    %c0_i32_0 = arith.constant 0 : i32
    return %c0_i32, %arg0 : i32, i32
  }
  func.func @transform_11(%arg0: i32) -> (i32, i32) {
    %c0_i32 = arith.constant 0 : i32
    %c0_i32_0 = arith.constant 0 : i32
    return %c0_i32, %arg0 : i32, i32
  }
  func.func @transform_12(%arg0: i32) -> (i32, i32) {
    %c0_i32 = arith.constant 0 : i32
    %c0_i32_0 = arith.constant 0 : i32
    return %c0_i32, %arg0 : i32, i32
  }
  func.func @transform_13(%arg0: i32) -> (i32, i32) {
    %c0_i32 = arith.constant 0 : i32
    %c0_i32_0 = arith.constant 0 : i32
    return %c0_i32, %arg0 : i32, i32
  }
  func.func @transform_14(%arg0: i32) -> (i32, i32) {
    %c0_i32 = arith.constant 0 : i32
    %c0_i32_0 = arith.constant 0 : i32
    return %c0_i32, %arg0 : i32, i32
  }
  func.func @transform_15(%arg0: i32) -> (i32, i32) {
    %c0_i32 = arith.constant 0 : i32
    %c0_i32_0 = arith.constant 0 : i32
    return %c0_i32, %arg0 : i32, i32
  }
  func.func @transform_16(%arg0: i32) -> (i32, i32) {
    %c0_i32 = arith.constant 0 : i32
    %c0_i32_0 = arith.constant 0 : i32
    return %c0_i32, %arg0 : i32, i32
  }
  func.func @transform_17(%arg0: i32) -> (i32, i32) {
    %c0_i32 = arith.constant 0 : i32
    %c0_i32_0 = arith.constant 0 : i32
    return %c0_i32, %arg0 : i32, i32
  }
  func.func @transform_18(%arg0: i32) -> (i32, i32) {
    %c0_i32 = arith.constant 0 : i32
    %c0_i32_0 = arith.constant 0 : i32
    return %c0_i32, %arg0 : i32, i32
  }
}

</mosaic_0001>

<sc_bundles>
// kernel: kernel.11.cloned.1.call-start
scs
__scs_entry_jumppad:
0x0: {  	(pc) =	sbr.rel $0x88, $3  }
0x1: {  	(tag) =	ssettag $0x0;
	lr =	simm.s32 $0x1  }
0x2: {  	[smem:$0x3F9A] =	sst lr;
	_ =	strace $0xD0000000  }
0x3: {  	_ = 	snop  }
0x4: {  	_ = 	snop  }
0x5: {  	_ = 	snop  }
0x6: {  	_ = 	snop  }
0x7: {  	_ = 	snop  }
__scs_overlays_trampoline_lowered:
0x8: {  	[smem:$0x3FA9] =	sst s0  }
0x9: {  	[smem:$0x3FAA] =	sst s1  }
0xa: {  	[smem:$0x3FAB] =	sst s2  }
0xb: {  	[smem:$0x3FAC] =	sst s3  }
0xc: {  	[smem:$0x3FAD] =	sst s4  }
0xd: {  	[smem:$0x3FAE] =	sst s5  }
0xe: {  	[smem:$0x3FAF] =	sst s6  }
0xf: {  	[smem:$0x3FB0] =	sst s7  }
0x10: {  	[smem:$0x3FB1] =	sst s8  }
0x11: {  	[smem:$0x3FB2] =	sst s9;
	s0 =	simm.s32 @!p0 $0x0  }
0x12: {  	s1 =	sld [smem:$0x3F98];
	s0 =	simm.s32 @p0 $0x1  }
0x13: {  	[smem:$0x3FB3] =	sst s0;
	s0 =	simm.s32 @!p1 $0x0  }
0x14: {  	s2 =	sld [smem:$0x3F97];
	s0 =	simm.s32 @p1 $0x1  }
0x15: {  	[smem:$0x3FB4] =	sst s0;
	s0 =	simm.s32 @!p2 $0x0  }
0x16: {  	s3 =	sld [smem:$0x3FDB];
	s0 =	simm.s32 @p2 $0x1  }
0x17: {  	s4 =	simm.s32 $0x1BF5;
	[smem:$0x3FB6] =	sst s0  }
0x18: {  	s0 =	sld [smem:$0x3F99];
	_ =	swait.ge [sflag:s4], $0x0  }
0x19: {  	s7 =	sld [smem:$0x3F9A]  }
0x1a: {  	s8 =	sadd.s32 $0xFFFFE003, lr  }
0x1b: {  	s9 =	sadd.s32 $0xFFFFFEF7, lr;
	s5 =	simm.s32 $0xFFFFFFFF;
	p2 =	slt.u32 s8, $0xFFFFF086  }
0x1c: {  	p1 =	slt.u32 s9, $0xF7A;
	s5 =	simm.s32 @!p2 $0x0  }
0x1d: {  	s5 =	simm.s32 @p1 $0x1;
	p0 =	seq.s32 s7, s2  }
0x1e: {  	s7 =	smul.u32 @!p0 $0xF7A, s2;
	p2 =	seq.s32 @!p0 s5, $0x0  }
0x1f: {  	s9 =	smul.u32 $0xF7A, s1;
	s8 =	simm.s32 @!p0 $0x1BF5;
	p2 =	por !p2, p0  }
0x20: {  	[sflag:s8] =	ssyncset.s32 @!p0 $0xFFFFF086;
	s6 =	sadd.s32 @!p0 s3, s7;
	s7 =	simm.s32 @!p0 $0x108  }
0x21: {  	s3 =	sadd.s32 s3, s9;
	s6 =	sadd.s32 @!p0 $0x88, s6;
	s7 =	simm.s32 @p2 $0x1082  }
0x22: {  	[simem:s7], [sflag:s8] =	dma.local @!p0 [hbm:s6], $0xF7A  }
0x23: {  	s9 =	sor.u32 $0xD0000000, s2;
	s6 =	simm.s32 $0x108;
	_ =	swait.ge @!p0 [sflag:s8], $0x0  }
0x24: {  	s3 =	sadd.s32 $0x88, s3;
	s6 =	simm.s32 @!p1 $0x1082;
	[sflag:s4] =	ssyncset.s32 $0xFFFFF086  }
0x25: {  	[simem:s6], [sflag:s4] =	dma.local [hbm:s3], $0xF7A  }
0x26: {  	[smem:$0x3F9A] =	sst s1;
	(tag) =	ssettag s2;
	_ =	strace s9  }
0x27: {  	s1 =	sld [smem:$0x3FAA]  }
0x28: {  	s2 =	sld [smem:$0x3FAB]  }
0x29: {  	s4 =	sld [smem:$0x3FAD]  }
0x2a: {  	p0 =	seq.s32 s5, $0x0;
	s5 =	sld [smem:$0x3FAE]  }
0x2b: {  	s6 =	sld [smem:$0x3FAF]  }
0x2c: {  	s7 =	sld [smem:$0x3FB0]  }
0x2d: {  	s3 =	simm.s32 $0x108;
	s8 =	sld [smem:$0x3FB1]  }
0x2e: {  	s3 =	simm.s32 @!p0 $0x1082;
	s9 =	sld [smem:$0x3FB2]  }
0x2f: {  	lr =	sadd.s32 s0, s3;
	s0 =	sld [smem:$0x3FA9]  }
0x30: {  	s3 =	sld [smem:$0x3FAC]  }
0x31: {  	[smem:$0x3FB5] =	sst s10  }
0x32: {  	s10 =	sld [smem:$0x3FB3];
	_ =	sdelay $0x3  }
0x33: {  	p0 =	seq.s32 s10, $0x1;
	s10 =	sld [smem:$0x3FB5];
	_ =	sdelay $0x3  }
0x34: {  	[smem:$0x3FB5] =	sst s10  }
0x35: {  	s10 =	sld [smem:$0x3FB4];
	_ =	sdelay $0x3  }
0x36: {  	p1 =	seq.s32 s10, $0x1;
	s10 =	sld [smem:$0x3FB5];
	_ =	sdelay $0x3  }
0x37: {  	[smem:$0x3FB5] =	sst s10  }
0x38: {  	s10 =	sld [smem:$0x3FB6]  }
0x39: {  	_ = 	snop;
	(pc) =	sbr.ind lr, $3  }
0x3a: {  	_ = 	snop  }
0x3b: {  	_ = 	snop  }
0x3c: {  	p2 =	seq.s32 s10, $0x1;
	s10 =	sld [smem:$0x3FB5]  }
0x3d: {  	_ =	shalt  }
0x3e: {  	_ =	shalt  }
0x3f: {  	_ =	shalt  }
0x40: {  	_ =	shalt  }
0x41: {  	_ =	shalt  }
0x42: {  	_ =	shalt  }
0x43: {  	_ =	shalt  }
0x44: {  	_ =	shalt  }
0x45: {  	_ =	shalt  }
0x46: {  	_ =	shalt  }
0x47: {  	_ =	shalt  }
0x48: {  	_ =	shalt  }
0x49: {  	_ =	shalt  }
0x4a: {  	_ =	shalt  }
0x4b: {  	_ =	shalt  }
0x4c: {  	_ =	shalt  }
0x4d: {  	_ =	shalt  }
0x4e: {  	_ =	shalt  }
0x4f: {  	_ =	shalt  }
0x50: {  	_ =	shalt  }
0x51: {  	_ =	shalt  }
0x52: {  	_ =	shalt  }
0x53: {  	_ =	shalt  }
0x54: {  	_ =	shalt  }
0x55: {  	_ =	shalt  }
0x56: {  	_ =	shalt  }
0x57: {  	_ =	shalt  }
0x58: {  	_ =	shalt  }
0x59: {  	_ =	shalt  }
0x5a: {  	_ =	shalt  }
0x5b: {  	_ =	shalt  }
0x5c: {  	_ =	shalt  }
0x5d: {  	_ =	shalt  }
0x5e: {  	_ =	shalt  }
0x5f: {  	_ =	shalt  }
0x60: {  	_ =	shalt  }
0x61: {  	_ =	shalt  }
0x62: {  	_ =	shalt  }
0x63: {  	_ =	shalt  }
0x64: {  	_ =	shalt  }
0x65: {  	_ =	shalt  }
0x66: {  	_ =	shalt  }
0x67: {  	_ =	shalt  }
0x68: {  	_ =	shalt  }
0x69: {  	_ =	shalt  }
0x6a: {  	_ =	shalt  }
0x6b: {  	_ =	shalt  }
0x6c: {  	_ =	shalt  }
0x6d: {  	_ =	shalt  }
0x6e: {  	_ =	shalt  }
0x6f: {  	_ =	shalt  }
0x70: {  	_ =	shalt  }
0x71: {  	_ =	shalt  }
0x72: {  	_ =	shalt  }
0x73: {  	_ =	shalt  }
0x74: {  	_ =	shalt  }
0x75: {  	_ =	shalt  }
0x76: {  	_ =	shalt  }
0x77: {  	_ =	shalt  }
0x78: {  	_ =	shalt  }
0x79: {  	_ =	shalt  }
0x7a: {  	_ =	shalt  }
0x7b: {  	_ =	shalt  }
0x7c: {  	_ =	shalt  }
0x7d: {  	_ =	shalt  }
0x7e: {  	_ =	shalt  }
0x7f: {  	_ =	shalt  }
0x80: {  	_ =	shalt  }
0x81: {  	_ =	shalt  }
0x82: {  	_ =	shalt  }
0x83: {  	_ =	shalt  }
0x84: {  	_ =	shalt  }
0x85: {  	_ =	shalt  }
0x86: {  	_ =	shalt  }
0x87: {  	_ =	shalt  }
.Lfunc_end0:
.L_simem_size_0:
called_computation.1_lowered:
.L_overlay_start_0:
0x88: {  	s2 =	sld [smem:$0x3FD9]  }
0x89: {  	s3 =	sld [smem:$0x3FFE];
	_ =	sdelay $0x1  }
0x8a: {  	s1 =	srdreg.scid  }
0x8b: {  	s0 =	sand.u32 $0x1, s1  }
0x8c: {  	s17 =	sshll.u32 s0, $0xA;
	s2 =	sadd.s32 s3, s2  }
0x8d: {  	s2 =	sadd.s32 s2, s17  }
0x8e: {  	[smem:$0x3FC1] =	sst s2  }
0x8f: {  	_ = 	snop  }
0x90: {  	s2 =	sld [smem:$0x3FD0];
	(tm) =	ssettm $0x1  }
0x91: {  	s18 =	sld [smem:$0x3FFB];
	_ =	sdelay $0x3  }
0x92: {  	_ =	strace s18  }
0x93: {  	s3 =	sld [smem:$0x3FFC];
	_ =	sdelay $0x3  }
0x94: {  	_ =	strace s3  }
0x95: {  	s3 =	sld [smem:$0x3FFD];
	_ =	sdelay $0x3  }
0x96: {  	_ =	strace s3  }
0x97: {  	_ =	strace $0x8FFFFFFF  }
0x98: {  	s19 =	sld [smem:$0x3FDB];
	_ =	sdelay $0x1  }
0x99: {  	s4 =	simm.s32 $_scs_section_size  }
0x9a: {  	s5 =	simm.s32 $_size__tile_overlayer_lowered;
	s6 =	simm.s32 $_tile_overlayer_lowered  }
0x9b: {  	s22 =	simm.s32 $0x1BFF;
	s21 =	sshll.u32 s6, $0x1;
	s3 =	sadd.s32 s4, s19  }
0x9c: {  	s7 =	simm.s32 $0x0;
	s20 =	sshll.u32 s5, $0x1;
	s5 =	sadd.s32 s21, s3  }
0x9d: {  	[timem:s7], [sflag:s22] =	dma.local [hbm:s5], s20  }
0x9e: {  	_ =	swait.ge [sflag:s22], s20  }
0x9f: {  	s4 =	ssub.s32 $0x0, s20;
	[sflag:s22] =	ssyncset.done $0x0  }
0xa0: {  	[sflag:s22] =	ssyncadd.s32 s4;
	_ =	sdelay $0x1  }
0xa1: {  	s23 =	simm.s32 $0x1B8B  }
0xa2: {  	_ =	swait.ge [sflag:s23], $0x1  }
0xa3: {  	[sflag:s23] =	ssyncset.done $0x0  }
0xa4: {  	s25 =	simm.s32 $0x1B8E;
	s24 =	sld [smem:$0x3FFE];
	[sflag:s23] =	ssyncadd.s32 $0xFFFFFFFF  }
0xa5: {  	s26 =	simm.s32 $execute0_lowered;
	[smem:$0x3FD2] =	sst s25  }
0xa6: {  	s5 =	sshll.u32 s26, $0x1;
	_ =	strace $0x80000049;
	[dreg:$0x1] =	wrdreg $0xFFFFFFFF  }
0xa7: {  	s28 =	simm.s32 $_size_execute0_lowered;
	s3 =	sadd.s32 s3, s5;
	[dreg:$0x0] =	wrdreg $0x0  }
0xa8: {  	s5 =	sshll.u32 s28, $0x1;
	[dreg:$0x2] =	wrdreg s3  }
0xa9: {  	[dreg:$0x3] =	wrdreg s5  }
0xaa: {  	[dreg:$0x4] =	wrdreg $0xC0  }
0xab: {  	_ =	task [dreg:s7], $0x5FFFF  }
0xac: {  	[dreg:$0x1] =	wrdreg $0xFFFFFFFF  }
0xad: {  	[dreg:$0x0] =	wrdreg $0x60  }
0xae: {  	[dreg:$0x2] =	wrdreg s2  }
0xaf: {  	[dreg:$0x3] =	wrdreg s24  }
0xb0: {  	[dreg:$0x4] =	wrdreg $0x136000  }
0xb1: {  	[dreg:$0x5] =	wrdreg $0x198000  }
0xb2: {  	[dreg:$0x6] =	wrdreg $0x9  }
0xb3: {  	_ =	task.clear_ibuf [dreg:s7], $0x7FFFF;
	_ =	strace $0x90000049  }
0xb4: {  	s29 =	simm.s32 $0x9;
	_ =	strace $0x8000004B  }
0xb5: {  	_ =	swait.ge [sflag:s29], $0x1  }
0xb6: {  	[sflag:s29] =	ssyncadd.s32 $0xFFFFFFFF  }
0xb7: {  	_ =	strace $0x9000004B  }
0xb8: {  	_ =	sfence  }
0xb9: {  	s30 =	sld [smem:$0x0];
	_ =	sdelay $0x2  }
0xba: {  	s31 =	sshll.u32 s1, $0xD;
	s1 =	sshrl.u32 s1, $0x2  }
0xbb: {  	s3 =	sand.u32 $0x4000, s31;
	s1 =	sadd.s32 s1, s30  }
0xbc: {  	s0 =	sor.u32 s3, s0;
	s1 =	sshll.u32 s1, $0x11  }
0xbd: {  	s0 =	sor.u32 s1, s0  }
0xbe: {  	s0 =	sadd.s32 $0x8F2B, s0  }
0xbf: {  	[sflag:s0] =	ssyncadd.remote.s32 $0x1  }
0xc0: {  	_ =	sfence.sel $0xFFFF  }
0xc1: {  	[dreg:$0x0] =	wrdreg $0xFFFFFFFF;
	(pc) =	sbr.abs _section_cstart, $3  }
0xc2: {  	[dreg:$0x1] =	wrdreg $0xFFFFFFFF  }
0xc3: {  	_ =	task.clear_ibuf [dreg:s7], $0x2FFFF;
	_ =	strace $0x9FFFFFFF  }
0xc4: {  	(tm) =	ssettm $0x7FFFFFFF  }
0xc5: {  	_ =	shalt  }
tec
execute0_lowered:
.L_overlay_start_1:
0x0: {  	(tag) =	ssettag $0x1  }
0x1: {  	s0 =	srdreg.scid  }
0x2: {  	s4 =	stileid.u32;
	s1 =	rddreg [dreg:$0x0]  }
0x3: {  	s5 =	rddreg [dreg:$0x1];
	s19 =	simm.s32 $0x9;
	s21 =	simm.s32 $0xC400  }
0x4: {  	s22 =	simm.s32 $0x80;
	s29 =	simm.s32 $0x13200;
	s30 =	simm.s32 $0x2  }
0x5: {  	s0 =	sand.u32 $0x1, s0;
	s2 =	sshll.u32 s4, $0x1;
	s7 =	smul.u32 $0x6200, s4  }
0x6: {  	s4 =	simm.s32 $0x0;
	s3 =	sor.u32 s0, s2;
	s2 =	rddreg [dreg:$0x2]  }
0x7: {  	s31 =	simm.s32 $0x3;
	s28 =	simm.s32 $0x8;
	[smem:$0x7FF] =	sst s4  }
0x8: {  	s26 =	ssub.s32 $0x2, s0;
	s6 =	smul.u32 $0x186A, s3;
	s3 =	rddreg [dreg:$0x3]  }
0x9: {  	s9 =	sshrl.u32 s7, $0x3;
	_ =	strace $0x8000004A;
	s12 =	sshrl.u32 s26, $0x1  }
0xa: {  	s15 =	sadd.s32 s7, s2;
	s9 =	sadd.s32 s9, s5;
	s8 =	sshrl.u32 s6, $0x1  }
0xb: {  	[dreg:$0x9] =	wrdreg s15;
	s11 =	sadd.s32 $0x186A, s6;
	s8 =	sand.u32 $0x1FFF0, s8  }
0xc: {  	s13 =	sshrl.u32 s6, $0x5;
	s11 =	sshrl.u32 s11, $0x5;
	s10 =	sadd.s32 s8, s5  }
0xd: {  	s5 =	sadd.s32 $0x27C00, s5;
	s6 =	ssub.s32 s11, s13;
	s1 =	sadd.s32 s1, s8  }
0xe: {  	p0 =	sne.s32 s11, s13;
	s13 =	sadd.s32 $0x1B800, s9;
	[dreg:$0x5] =	wrdreg s5  }
0xf: {  	s5 =	ssub.s32 s26, s12;
	[dreg:$0x6] =	wrdreg s1;
	s8 =	sadd.s32 $0x3000, s10  }
0x10: {  	s1 =	simm.s32 $0x1;
	s10 =	sshll.u32 s6, $0x10;
	s11 =	sshra.s32 s6, $0x1F  }
0x11: {  	s12 =	sand.u32 $0x3, s6;
	[dreg:$0x8] =	wrdreg s13;
	s13 =	simm.s32 $0x1  }
0x12: {  	[dreg:$0x7] =	wrdreg s8;
	s1 =	simm.s32 @!p0 $0x0;
	s8 =	sshra.s32 s10, $0x1F  }
0x13: {  	p1 =	sne.s32 s12, $0x0;
	s12 =	simm.s32 $0x34E00;
	s1 =	sor.u32 s1, s11  }
0x14: {  	s26 =	smax.u32 s5, $0x1;
	s8 =	sand.u32 $0x3, s8;
	p6 =	sne.s32 s1, $0x1  }
0x15: {  	s11 =	sadd.s32 s7, s3;
	s14 =	sadd.s32 s8, s6;
	p0 =	por !p1, !p6  }
0x16: {  	s8 =	simm.s32 $0x1;
	s1 =	sshll.u32 s14, $0x10;
	p0 =	por !p0, !p0  }
0x17: {  	[dreg:$0xe] =	wrdreg s26;
	s1 =	sshra.s32 s1, $0x12;
	s8 =	simm.s32 @!p0 $0x0  }
0x18: {  	s26 =	simm.s32 $0x12E00;
	p0 =	seq.s32 s0, $0x0;
	s14 =	ssub.s32 s1, s8  }
0x19: {  	s0 =	simm.s32 $0x5;
	s12 =	simm.s32 @!p0 $0x28A00;
	s16 =	sshll.u32 s14, $0x2  }
0x1a: {  	s1 =	sshll.u32 s14, $0xB;
	s18 =	sadd.s32 s12, s9;
	[dreg:$0xa] =	wrdreg s14  }
0x1b: {  	p1 =	slt.s32 s14, $0x1;
	s12 =	simm.s32 $0x0;
	s1 =	sshra.s32 s1, $0x2  }
0x1c: {  	s17 =	sor.u32 $0x1, s16;
	s20 =	sor.u32 $0x2, s16;
	p2 =	sge.s32 s16, s6  }
0x1d: {  	s1 =	sadd.s32 $0x6200, s1;
	s23 =	sshll.u32 s17, $0x9;
	s24 =	sshll.u32 s20, $0x9  }
.Ltmp0:
0x1e: {  	p3 =	sge.s32 s17, s6;
	p4 =	sge.s32 s20, s6;
	(pc) =	sbr.rel .LBB2_1-.Ltmp0, $4  }
0x1f: {  	s20 =	simm.s32 $0x6;
	[dreg:$0xb] =	wrdreg s1;
	s1 =	sshra.s32 s23, $0x2  }
0x20: {  	s10 =	sshra.s32 s24, $0x2;
	s23 =	simm.s32 $0x12600;
	s1 =	sadd.s32 $0x6200, s1  }
0x21: {  	s24 =	simm.s32 $0x12A00;
	s25 =	sadd.s32 $0x6200, s10;
	[dreg:$0xc] =	wrdreg s1  }
0x22: {  	[dreg:$0xd] =	wrdreg s25;
	s1 =	simm.s32 $0x4;
	s25 =	simm.s32 $0x7  }
.LBB2_4:
0x23: {  	[tilespmem:s9], [sflag:$0x4] =	stream.indirect.gather @!p6 [spmem:s2], $0x8, s10, s14, $0xb8;
	[tilespmem:$0x1FA00] =	vst v63  }
.LBB2_5:
0x24: {  	s5 =	simm.s32 @!p2 $0x1  }
0x25: {  	_ =	swait.ge @!p2 [sflag:s5], $0x400  }
0x26: {  	s7 =	simm.s32 @!p2 $0x12600;
	[sflag:s5] =	ssyncset.done @!p2 $0x0  }
0x27: {  	s8 =	rddreg [dreg:$0xb];
	[sflag:s5] =	ssyncadd.s32 @!p2 $0xFFFFFC00;
	s5 =	simm.s32 @!p2 $0x80  }
0x28: {  	[spmem:s3] =	stream.indirect.scatter.add.f32 @!p2 [tilespmem:s7], [sflag:$0x9], $0x8, s8, s5, $0xb8;
	[tilespmem:$0x1FA00] =	vst v63  }
0x29: {  	s5 =	simm.s32 @!p2 $0x9  }
0x2a: {  	_ =	swait.ge @!p2 [sflag:s5], $0x400  }
0x2b: {  	[sflag:s5] =	ssyncset.done @!p2 $0x0  }
0x2c: {  	[sflag:s5] =	ssyncadd.s32 @!p2 $0xFFFFFC00;
	s5 =	simm.s32 @!p3 $0x2  }
0x2d: {  	_ =	swait.ge @!p3 [sflag:s5], $0x400  }
0x2e: {  	s7 =	simm.s32 @!p3 $0x12A00;
	[sflag:s5] =	ssyncset.done @!p3 $0x0  }
0x2f: {  	s8 =	rddreg [dreg:$0xc];
	[sflag:s5] =	ssyncadd.s32 @!p3 $0xFFFFFC00;
	s5 =	simm.s32 @!p3 $0x80  }
0x30: {  	[spmem:s3] =	stream.indirect.scatter.add.f32 @!p3 [tilespmem:s7], [sflag:$0x9], $0x8, s8, s5, $0xb8;
	[tilespmem:$0x1FA00] =	vst v63  }
0x31: {  	s5 =	simm.s32 @!p3 $0x9  }
0x32: {  	_ =	swait.ge @!p3 [sflag:s5], $0x400  }
0x33: {  	[sflag:s5] =	ssyncset.done @!p3 $0x0  }
0x34: {  	[sflag:s5] =	ssyncadd.s32 @!p3 $0xFFFFFC00;
	s5 =	simm.s32 @!p4 $0x3  }
0x35: {  	_ =	swait.ge @!p4 [sflag:s5], $0x400  }
0x36: {  	s7 =	simm.s32 @!p4 $0x12E00;
	[sflag:s5] =	ssyncset.done @!p4 $0x0  }
0x37: {  	s8 =	rddreg [dreg:$0xd];
	[sflag:s5] =	ssyncadd.s32 @!p4 $0xFFFFFC00;
	s5 =	simm.s32 @!p4 $0x80  }
0x38: {  	[spmem:s3] =	stream.indirect.scatter.add.f32 @!p4 [tilespmem:s7], [sflag:$0x9], $0x8, s8, s5, $0xb8;
	[tilespmem:$0x1FA00] =	vst v63  }
0x39: {  	s5 =	simm.s32 @!p4 $0x9  }
0x3a: {  	_ =	swait.ge @!p4 [sflag:s5], $0x400  }
0x3b: {  	[sflag:s5] =	ssyncset.done @!p4 $0x0  }
0x3c: {  	[sflag:s5] =	ssyncadd.s32 @!p4 $0xFFFFFC00  }
0x3d: {  	[bflag:$0x0] =	sbarrier.arrive $0xFFFF  }
0x3e: {  	[tilespmem:s21], [sflag:$0x9] =	stream.linear.gather [spmem:s11], $0x6200, $0x38;
	[tilespmem:$0x1FA00] =	vst v63  }
0x3f: {  	_ =	swait.ge [sflag:s19], $0x6200  }
0x40: {  	[sflag:s19] =	ssyncset.done $0x0  }
0x41: {  	[sflag:s19] =	ssyncadd.s32 $0xFFFF9E00  }
0x42: {  	[hbm4b:s18+s4] =	stream.linear.scatter [tilespmem:s21], [sflag:$0x9], $0x6200, $0x38;
	[tilespmem:$0x1FA00] =	vst v63  }
0x43: {  	_ =	swait.ge [sflag:s19], $0x6200  }
0x44: {  	s12 =	sadd.s32 $0x1, s12;
	s17 =	rddreg [dreg:$0xe]  }
0x45: {  	p5 =	sne.s32 s12, s17  }
.Ltmp1:
0x46: {  	_ = 	snop;
	(pc) =	sbr.rel @!p5 .LBB2_6-.Ltmp1, $3  }
0x47: {  	_ =	sdelay $0x1  }
0x48: {  	[sflag:s19] =	ssyncset.done $0x0  }
0x49: {  	[sflag:s19] =	ssyncadd.s32 $0xFFFF9E00  }
.LBB2_1:
0x4a: {  	s5 =	rddreg [dreg:$0x6]  }
0x4b: {  	[tilespmem:s4], [sflag:$0x9] =	stream.linear.gather [hbm4b:s5+s4], $0x6200, $0x38;
	[tilespmem:$0x1FA00] =	vst v63  }
0x4c: {  	_ =	swait.ge [sflag:s19], $0x6200  }
0x4d: {  	[sflag:s19] =	ssyncset.done $0x0  }
0x4e: {  	s7 =	simm.s32 $0x6200;
	s10 =	rddreg [dreg:$0x7];
	[sflag:s19] =	ssyncadd.s32 $0xFFFF9E00  }
0x4f: {  	[tilespmem:s7], [sflag:$0x9] =	stream.linear.gather [hbm4b:s10+s4], $0x6200, $0x38;
	[tilespmem:$0x1FA00] =	vst v63  }
0x50: {  	_ =	swait.ge [sflag:s19], $0x6200  }
0x51: {  	[sflag:s19] =	ssyncset.done $0x0  }
0x52: {  	s14 =	rddreg [dreg:$0x8];
	[sflag:s19] =	ssyncadd.s32 $0xFFFF9E00  }
0x53: {  	[tilespmem:s21], [sflag:$0x9] =	stream.linear.gather [hbm4b:s14+s4], $0x6200, $0x38;
	[tilespmem:$0x1FA00] =	vst v63  }
0x54: {  	_ =	swait.ge [sflag:s19], $0x6200  }
0x55: {  	[sflag:s19] =	ssyncset.done $0x0  }
0x56: {  	s15 =	rddreg [dreg:$0x9];
	[sflag:s19] =	ssyncadd.s32 $0xFFFF9E00  }
0x57: {  	[spmem:s15] =	stream.linear.scatter [tilespmem:s21], [sflag:$0x9], $0x6200, $0x38;
	[tilespmem:$0x1FA00] =	vst v63  }
0x58: {  	_ =	swait.ge [sflag:s19], $0x6200  }
0x59: {  	s5 =	simm.s32 @!p0 $0x0;
	[sflag:s19] =	ssyncset.done $0x0  }
0x5a: {  	s7 =	simm.s32 @!p0 $0xC400;
	s8 =	rddreg [dreg:$0x5];
	[sflag:s19] =	ssyncadd.s32 $0xFFFF9E00  }
0x5b: {  	[tilespmem:s7], [sflag:$0x9] =	stream.linear.gather @!p0 [hbm4b:s8+s5], $0x6200, $0x38;
	[tilespmem:$0x1FA00] =	vst v63  }
0x5c: {  	s5 =	simm.s32 @!p0 $0x9  }
0x5d: {  	_ =	swait.ge @!p0 [sflag:s5], $0x6200  }
0x5e: {  	[sflag:s5] =	ssyncset.done @!p0 $0x0  }
0x5f: {  	[sflag:s5] =	ssyncadd.s32 @!p0 $0xFFFF9E00  }
0x60: {  	[spmem:s11] =	stream.linear.scatter [tilespmem:s21], [sflag:$0x9], $0x6200, $0x38;
	[tilespmem:$0x1FA00] =	vst v63  }
0x61: {  	_ =	swait.ge [sflag:s19], $0x6200  }
0x62: {  	[sflag:s19] =	ssyncset.done $0x0  }
0x63: {  	[sflag:s19] =	ssyncadd.s32 $0xFFFF9E00  }
0x64: {  	[bflag:$0x0] =	sbarrier.arrive $0xFFFF  }
0x65: {  	[tilespmem:s23], [sflag:$0x1] =	stream.indirect.gather [spmem:s2], $0x8, s4, s22, $0xb8;
	[tilespmem:$0x1FA00] =	vst v63  }
0x66: {  	_ = 	snop  }
0x67: {  	[tilespmem:s24], [sflag:$0x2] =	stream.indirect.gather [spmem:s2], $0x8, s22, s22, $0xb8;
	[tilespmem:$0x1FA00] =	vst v63  }
.Ltmp2:
0x68: {  	_ = 	snop;
	(pc) =	sbr.rel @p1 .LBB2_5-.Ltmp2, $4  }
0x69: {  	s16 =	simm.s32 $0x100  }
0x6a: {  	[tilespmem:s26], [sflag:$0x3] =	stream.indirect.gather [spmem:s2], $0x8, s16, s22, $0xb8;
	[tilespmem:$0x1FA00] =	vst v63  }
0x6b: {  	s17 =	simm.s32 $0x180  }
0x6c: {  	[tilespmem:s29], [sflag:$0x4] =	stream.indirect.gather [spmem:s2], $0x8, s17, s22, $0xb8;
	[tilespmem:$0x1FA00] =	vst v63  }
0x6d: {  	_ =	swait.ge [sflag:s13], $0x400  }
0x6e: {  	[sflag:s13] =	ssyncset.done $0x0  }
0x6f: {  	s5 =	simm.s32 $0x6200;
	[sflag:s13] =	ssyncadd.s32 $0xFFFFFC00  }
0x70: {  	[spmem:s3] =	stream.indirect.scatter.add.f32 [tilespmem:s23], [sflag:$0x5], $0x8, s5, s22, $0xb8;
	[tilespmem:$0x1FA00] =	vst v63  }
0x71: {  	_ =	swait.ge [sflag:s30], $0x400  }
0x72: {  	[sflag:s30] =	ssyncset.done $0x0  }
0x73: {  	s14 =	simm.s32 $0x6280;
	[sflag:s30] =	ssyncadd.s32 $0xFFFFFC00  }
0x74: {  	[spmem:s3] =	stream.indirect.scatter.add.f32 [tilespmem:s24], [sflag:$0x6], $0x8, s14, s22, $0xb8;
	[tilespmem:$0x1FA00] =	vst v63  }
0x75: {  	_ =	swait.ge [sflag:s31], $0x400  }
0x76: {  	[sflag:s31] =	ssyncset.done $0x0  }
0x77: {  	s15 =	simm.s32 $0x6300;
	[sflag:s31] =	ssyncadd.s32 $0xFFFFFC00  }
0x78: {  	[spmem:s3] =	stream.indirect.scatter.add.f32 [tilespmem:s26], [sflag:$0x7], $0x8, s15, s22, $0xb8;
	[tilespmem:$0x1FA00] =	vst v63  }
0x79: {  	_ =	swait.ge [sflag:s1], $0x400  }
0x7a: {  	[sflag:s1] =	ssyncset.done $0x0  }
0x7b: {  	s16 =	simm.s32 $0x6380;
	[sflag:s1] =	ssyncadd.s32 $0xFFFFFC00  }
0x7c: {  	[spmem:s3] =	stream.indirect.scatter.add.f32 [tilespmem:s29], [sflag:$0x8], $0x8, s16, s22, $0xb8;
	[tilespmem:$0x1FA00] =	vst v63  }
0x7d: {  	p5 =	sle.s32 s6, $0x4;
	_ =	swait.ge [sflag:s0], $0x400  }
0x7e: {  	s7 =	simm.s32 @!p5 $0x200;
	[sflag:s0] =	ssyncset.done $0x0  }
0x7f: {  	s8 =	simm.s32 @!p5 $0x80;
	s5 =	simm.s32 @!p5 $0x12600;
	[sflag:s0] =	ssyncadd.s32 $0xFFFFFC00  }
0x80: {  	[tilespmem:s5], [sflag:$0x1] =	stream.indirect.gather @!p5 [spmem:s2], $0x8, s7, s8, $0xb8;
	[tilespmem:$0x1FA00] =	vst v63  }
0x81: {  	p6 =	sle.s32 s6, $0x6;
	p5 =	sle.s32 s6, $0x5;
	_ =	swait.ge [sflag:s20], $0x400  }
0x82: {  	s5 =	simm.s32 @!p5 $0x12A00;
	s7 =	simm.s32 @!p5 $0x280;
	[sflag:s20] =	ssyncset.done $0x0  }
0x83: {  	s8 =	simm.s32 @!p5 $0x80;
	s17 =	rddreg [dreg:$0xa];
	[sflag:s20] =	ssyncadd.s32 $0xFFFFFC00  }
0x84: {  	[tilespmem:s5], [sflag:$0x2] =	stream.indirect.gather @!p5 [spmem:s2], $0x8, s7, s8, $0xb8;
	[tilespmem:$0x1FA00] =	vst v63  }
0x85: {  	s9 =	simm.s32 @!p6 $0x80;
	s5 =	sadd.s32 $0xFFFFFFFF, s17;
	_ =	swait.ge [sflag:s25], $0x400  }
0x86: {  	s7 =	simm.s32 @!p6 $0x12E00;
	p5 =	sne.s32 s5, $0x0;
	[sflag:s25] =	ssyncset.done $0x0  }
.Ltmp3:
0x87: {  	s8 =	simm.s32 @!p6 $0x300;
	[sflag:s25] =	ssyncadd.s32 $0xFFFFFC00;
	(pc) =	sbr.rel @!p5 .LBB2_4-.Ltmp3, $4  }
0x88: {  	[tilespmem:s7], [sflag:$0x3] =	stream.indirect.gather @!p6 [spmem:s2], $0x8, s8, s9, $0xb8;
	[tilespmem:$0x1FA00] =	vst v63  }
0x89: {  	s7 =	simm.s32 $0x8;
	p6 =	sle.s32 s6, $0x7;
	_ =	swait.ge [sflag:s28], $0x400  }
0x8a: {  	s8 =	simm.s32 $0x800;
	s9 =	simm.s32 @!p6 $0x13200;
	[sflag:s28] =	ssyncset.done $0x0  }
0x8b: {  	s10 =	simm.s32 @!p6 $0x380;
	s14 =	simm.s32 @!p6 $0x80;
	[sflag:s28] =	ssyncadd.s32 $0xFFFFFC00  }
.LBB2_3:
0x8c: {  	[tilespmem:s9], [sflag:$0x4] =	stream.indirect.gather @!p6 [spmem:s2], $0x8, s10, s14, $0xb8;
	[tilespmem:$0x1FA00] =	vst v63  }
0x8d: {  	s5 =	sadd.s32 $0xFFFFFFFF, s5;
	s10 =	smov.u32 s7;
	s9 =	smov.u32 s8  }
0x8e: {  	p5 =	sne.s32 s5, $0x0;
	_ =	swait.ge [sflag:s13], $0x400  }
0x8f: {  	s14 =	sshra.s32 s8, $0x2;
	[sflag:s13] =	ssyncset.done $0x0  }
0x90: {  	s15 =	sadd.s32 $0x6200, s14;
	[sflag:s13] =	ssyncadd.s32 $0xFFFFFC00  }
0x91: {  	[spmem:s3] =	stream.indirect.scatter.add.f32 [tilespmem:s23], [sflag:$0x5], $0x8, s15, s22, $0xb8;
	[tilespmem:$0x1FA00] =	vst v63  }
0x92: {  	_ =	swait.ge [sflag:s30], $0x400  }
0x93: {  	[sflag:s30] =	ssyncset.done $0x0  }
0x94: {  	s15 =	sadd.s32 $0x6280, s14;
	[sflag:s30] =	ssyncadd.s32 $0xFFFFFC00  }
0x95: {  	[spmem:s3] =	stream.indirect.scatter.add.f32 [tilespmem:s24], [sflag:$0x6], $0x8, s15, s22, $0xb8;
	[tilespmem:$0x1FA00] =	vst v63  }
0x96: {  	_ =	swait.ge [sflag:s31], $0x400  }
0x97: {  	[sflag:s31] =	ssyncset.done $0x0  }
0x98: {  	s15 =	sadd.s32 $0x6300, s14;
	[sflag:s31] =	ssyncadd.s32 $0xFFFFFC00  }
0x99: {  	[spmem:s3] =	stream.indirect.scatter.add.f32 [tilespmem:s26], [sflag:$0x7], $0x8, s15, s22, $0xb8;
	[tilespmem:$0x1FA00] =	vst v63  }
0x9a: {  	_ =	swait.ge [sflag:s1], $0x400  }
0x9b: {  	[sflag:s1] =	ssyncset.done $0x0  }
0x9c: {  	s7 =	sadd.s32 $0x4, s7;
	s14 =	sadd.s32 $0x6380, s14;
	[sflag:s1] =	ssyncadd.s32 $0xFFFFFC00  }
0x9d: {  	[spmem:s3] =	stream.indirect.scatter.add.f32 [tilespmem:s29], [sflag:$0x8], $0x8, s14, s22, $0xb8;
	[tilespmem:$0x1FA00] =	vst v63  }
0x9e: {  	p6 =	sge.s32 s10, s6;
	s14 =	sadd.s32 $0x1, s10;
	_ =	swait.ge [sflag:s0], $0x400  }
0x9f: {  	s16 =	simm.s32 @!p6 $0x12600;
	s15 =	sshra.s32 @!p6 s8, $0x2;
	[sflag:s0] =	ssyncset.done $0x0  }
0xa0: {  	s17 =	simm.s32 @!p6 $0x80;
	s15 =	sadd.s32 @!p6 $0x200, s15;
	[sflag:s0] =	ssyncadd.s32 $0xFFFFFC00  }
0xa1: {  	[tilespmem:s16], [sflag:$0x1] =	stream.indirect.gather @!p6 [spmem:s2], $0x8, s15, s17, $0xb8;
	[tilespmem:$0x1FA00] =	vst v63  }
0xa2: {  	p6 =	sge.s32 s14, s6;
	s14 =	sadd.s32 $0x2, s10;
	_ =	swait.ge [sflag:s20], $0x400  }
0xa3: {  	s15 =	sshra.s32 @!p6 s8, $0x2;
	s16 =	simm.s32 @!p6 $0x12A00;
	[sflag:s20] =	ssyncset.done $0x0  }
0xa4: {  	s17 =	simm.s32 @!p6 $0x80;
	s15 =	sadd.s32 @!p6 $0x280, s15;
	[sflag:s20] =	ssyncadd.s32 $0xFFFFFC00  }
0xa5: {  	[tilespmem:s16], [sflag:$0x2] =	stream.indirect.gather @!p6 [spmem:s2], $0x8, s15, s17, $0xb8;
	[tilespmem:$0x1FA00] =	vst v63  }
0xa6: {  	p6 =	sge.s32 s14, s6  }
0xa7: {  	s10 =	sadd.s32 $0x3, s10;
	_ =	swait.ge [sflag:s25], $0x400;
	s14 =	sshra.s32 @!p6 s8, $0x2  }
0xa8: {  	s15 =	simm.s32 @!p6 $0x12E00;
	s16 =	simm.s32 @!p6 $0x80;
	[sflag:s25] =	ssyncset.done $0x0  }
.Ltmp4:
0xa9: {  	s14 =	sadd.s32 @!p6 $0x300, s14;
	[sflag:s25] =	ssyncadd.s32 $0xFFFFFC00;
	(pc) =	sbr.rel @p5 .LBB2_3-.Ltmp4, $4  }
0xaa: {  	[tilespmem:s15], [sflag:$0x3] =	stream.indirect.gather @!p6 [spmem:s2], $0x8, s14, s16, $0xb8;
	[tilespmem:$0x1FA00] =	vst v63  }
0xab: {  	s8 =	sadd.s32 $0x800, s8;
	p6 =	sge.s32 s10, s6;
	_ =	swait.ge [sflag:s28], $0x400  }
0xac: {  	s10 =	sshra.s32 @!p6 s9, $0x2;
	s9 =	simm.s32 @!p6 $0x13200;
	[sflag:s28] =	ssyncset.done $0x0  }
0xad: {  	s14 =	simm.s32 @!p6 $0x80;
	s10 =	sadd.s32 @!p6 $0x380, s10;
	[sflag:s28] =	ssyncadd.s32 $0xFFFFFC00  }
.Ltmp5:
0xae: {  	_ = 	snop;
	(pc) =	sbr.rel .LBB2_4-.Ltmp5, $1  }
0xaf: {  	_ =	sdelay $0x3  }
.LBB2_6:
0xb0: {  	_ =	sfence.sel $0x180000  }
0xb1: {  	[bflag:$0x0] =	sbarrier.arrive $0xFFFF  }
0xb2: {  	_ =	strace $0x9000004A  }
0xb3: {  	s0 =	stileid.u32;
	[bflag:$0x2] =	sbarrier.arrive $0xFFFF  }
0xb4: {  	p0 =	sne.s32 s0, $0x0;
	s0 =	rddreg [dreg:$0x4]  }
0xb5: {  	s0 =	sadd.s32 @!p0 $0x100000, s0  }
0xb6: {  	[sflag:s0] =	ssyncadd.tile.s32 @!p0 $0x1;
	_ =	shalt  }
.Lfunc_end2:
_tile_overlayer_lowered:
.L_overlay_start_2:
0xb7: {  	(tag) =	ssettag $0x2  }
0xb8: {  	s0 =	rddreg [dreg:$0x0];
	s2 =	stileid.u32  }
0xb9: {  	s1 =	rddreg [dreg:$0x1];
	p0 =	sne.s32 s2, $0x0  }
0xba: {  	s3 =	rddreg [dreg:$0x2];
	[bflag:$0x3] =	sbarrier.arrive $0xFFFF;
	s2 =	simm.s32 @!p0 $0x1C09  }
0xbb: {  	[timem:s3], [sflag:s2] =	dma.local @!p0 [hbm:s0], s1  }
0xbc: {  	s0 =	simm.s32 @!p0 $0x9  }
0xbd: {  	_ =	swait.ge @!p0 [sflag:s0], s1  }
0xbe: {  	s1 =	ssub.s32 @!p0 $0x0, s1;
	[sflag:s0] =	ssyncset.done @!p0 $0x0  }
0xbf: {  	[sflag:s0] =	ssyncadd.s32 @!p0 s1  }
0xc0: {  	[bflag:$0x3] =	sbarrier.arrive $0xFFFF  }
0xc1: {  	_ =	shalt  }

// kernel: kernel.8.cloned.1.call-start
scs
__scs_entry_jumppad:
0x0: {  	(pc) =	sbr.rel $0x88, $3  }
0x1: {  	(tag) =	ssettag $0x0;
	lr =	simm.s32 $0x1  }
0x2: {  	[smem:$0x3F9A] =	sst lr;
	_ =	strace $0xD0000000  }
0x3: {  	_ = 	snop  }
0x4: {  	_ = 	snop  }
0x5: {  	_ = 	snop  }
0x6: {  	_ = 	snop  }
0x7: {  	_ = 	snop  }
__scs_overlays_trampoline_lowered:
0x8: {  	[smem:$0x3FA9] =	sst s0  }
0x9: {  	[smem:$0x3FAA] =	sst s1  }
0xa: {  	[smem:$0x3FAB] =	sst s2  }
0xb: {  	[smem:$0x3FAC] =	sst s3  }
0xc: {  	[smem:$0x3FAD] =	sst s4  }
0xd: {  	[smem:$0x3FAE] =	sst s5  }
0xe: {  	[smem:$0x3FAF] =	sst s6  }
0xf: {  	[smem:$0x3FB0] =	sst s7  }
0x10: {  	[smem:$0x3FB1] =	sst s8  }
0x11: {  	[smem:$0x3FB2] =	sst s9;
	s0 =	simm.s32 @!p0 $0x0  }
0x12: {  	s1 =	sld [smem:$0x3F98];
	s0 =	simm.s32 @p0 $0x1  }
0x13: {  	[smem:$0x3FB3] =	sst s0;
	s0 =	simm.s32 @!p1 $0x0  }
0x14: {  	s2 =	sld [smem:$0x3F97];
	s0 =	simm.s32 @p1 $0x1  }
0x15: {  	[smem:$0x3FB4] =	sst s0;
	s0 =	simm.s32 @!p2 $0x0  }
0x16: {  	s3 =	sld [smem:$0x3FDB];
	s0 =	simm.s32 @p2 $0x1  }
0x17: {  	s4 =	simm.s32 $0x1BF5;
	[smem:$0x3FB6] =	sst s0  }
0x18: {  	s0 =	sld [smem:$0x3F99];
	_ =	swait.ge [sflag:s4], $0x0  }
0x19: {  	s7 =	sld [smem:$0x3F9A]  }
0x1a: {  	s8 =	sadd.s32 $0xFFFFE003, lr  }
0x1b: {  	s9 =	sadd.s32 $0xFFFFFEF7, lr;
	s5 =	simm.s32 $0xFFFFFFFF;
	p2 =	slt.u32 s8, $0xFFFFF086  }
0x1c: {  	p1 =	slt.u32 s9, $0xF7A;
	s5 =	simm.s32 @!p2 $0x0  }
0x1d: {  	s5 =	simm.s32 @p1 $0x1;
	p0 =	seq.s32 s7, s2  }
0x1e: {  	s7 =	smul.u32 @!p0 $0xF7A, s2;
	p2 =	seq.s32 @!p0 s5, $0x0  }
0x1f: {  	s9 =	smul.u32 $0xF7A, s1;
	s8 =	simm.s32 @!p0 $0x1BF5;
	p2 =	por !p2, p0  }
0x20: {  	[sflag:s8] =	ssyncset.s32 @!p0 $0xFFFFF086;
	s6 =	sadd.s32 @!p0 s3, s7;
	s7 =	simm.s32 @!p0 $0x108  }
0x21: {  	s3 =	sadd.s32 s3, s9;
	s6 =	sadd.s32 @!p0 $0x88, s6;
	s7 =	simm.s32 @p2 $0x1082  }
0x22: {  	[simem:s7], [sflag:s8] =	dma.local @!p0 [hbm:s6], $0xF7A  }
0x23: {  	s9 =	sor.u32 $0xD0000000, s2;
	s6 =	simm.s32 $0x108;
	_ =	swait.ge @!p0 [sflag:s8], $0x0  }
0x24: {  	s3 =	sadd.s32 $0x88, s3;
	s6 =	simm.s32 @!p1 $0x1082;
	[sflag:s4] =	ssyncset.s32 $0xFFFFF086  }
0x25: {  	[simem:s6], [sflag:s4] =	dma.local [hbm:s3], $0xF7A  }
0x26: {  	[smem:$0x3F9A] =	sst s1;
	(tag) =	ssettag s2;
	_ =	strace s9  }
0x27: {  	s1 =	sld [smem:$0x3FAA]  }
0x28: {  	s2 =	sld [smem:$0x3FAB]  }
0x29: {  	s4 =	sld [smem:$0x3FAD]  }
0x2a: {  	p0 =	seq.s32 s5, $0x0;
	s5 =	sld [smem:$0x3FAE]  }
0x2b: {  	s6 =	sld [smem:$0x3FAF]  }
0x2c: {  	s7 =	sld [smem:$0x3FB0]  }
0x2d: {  	s3 =	simm.s32 $0x108;
	s8 =	sld [smem:$0x3FB1]  }
0x2e: {  	s3 =	simm.s32 @!p0 $0x1082;
	s9 =	sld [smem:$0x3FB2]  }
0x2f: {  	lr =	sadd.s32 s0, s3;
	s0 =	sld [smem:$0x3FA9]  }
0x30: {  	s3 =	sld [smem:$0x3FAC]  }
0x31: {  	[smem:$0x3FB5] =	sst s10  }
0x32: {  	s10 =	sld [smem:$0x3FB3];
	_ =	sdelay $0x3  }
0x33: {  	p0 =	seq.s32 s10, $0x1;
	s10 =	sld [smem:$0x3FB5];
	_ =	sdelay $0x3  }
0x34: {  	[smem:$0x3FB5] =	sst s10  }
0x35: {  	s10 =	sld [smem:$0x3FB4];
	_ =	sdelay $0x3  }
0x36: {  	p1 =	seq.s32 s10, $0x1;
	s10 =	sld [smem:$0x3FB5];
	_ =	sdelay $0x3  }
0x37: {  	[smem:$0x3FB5] =	sst s10  }
0x38: {  	s10 =	sld [smem:$0x3FB6]  }
0x39: {  	_ = 	snop;
	(pc) =	sbr.ind lr, $3  }
0x3a: {  	_ = 	snop  }
0x3b: {  	_ = 	snop  }
0x3c: {  	p2 =	seq.s32 s10, $0x1;
	s10 =	sld [smem:$0x3FB5]  }
0x3d: {  	_ =	shalt  }
0x3e: {  	_ =	shalt  }
0x3f: {  	_ =	shalt  }
0x40: {  	_ =	shalt  }
0x41: {  	_ =	shalt  }
0x42: {  	_ =	shalt  }
0x43: {  	_ =	shalt  }
0x44: {  	_ =	shalt  }
0x45: {  	_ =	shalt  }
0x46: {  	_ =	shalt  }
0x47: {  	_ =	shalt  }
0x48: {  	_ =	shalt  }
0x49: {  	_ =	shalt  }
0x4a: {  	_ =	shalt  }
0x4b: {  	_ =	shalt  }
0x4c: {  	_ =	shalt  }
0x4d: {  	_ =	shalt  }
0x4e: {  	_ =	shalt  }
0x4f: {  	_ =	shalt  }
0x50: {  	_ =	shalt  }
0x51: {  	_ =	shalt  }
0x52: {  	_ =	shalt  }
0x53: {  	_ =	shalt  }
0x54: {  	_ =	shalt  }
0x55: {  	_ =	shalt  }
0x56: {  	_ =	shalt  }
0x57: {  	_ =	shalt  }
0x58: {  	_ =	shalt  }
0x59: {  	_ =	shalt  }
0x5a: {  	_ =	shalt  }
0x5b: {  	_ =	shalt  }
0x5c: {  	_ =	shalt  }
0x5d: {  	_ =	shalt  }
0x5e: {  	_ =	shalt  }
0x5f: {  	_ =	shalt  }
0x60: {  	_ =	shalt  }
0x61: {  	_ =	shalt  }
0x62: {  	_ =	shalt  }
0x63: {  	_ =	shalt  }
0x64: {  	_ =	shalt  }
0x65: {  	_ =	shalt  }
0x66: {  	_ =	shalt  }
0x67: {  	_ =	shalt  }
0x68: {  	_ =	shalt  }
0x69: {  	_ =	shalt  }
0x6a: {  	_ =	shalt  }
0x6b: {  	_ =	shalt  }
0x6c: {  	_ =	shalt  }
0x6d: {  	_ =	shalt  }
0x6e: {  	_ =	shalt  }
0x6f: {  	_ =	shalt  }
0x70: {  	_ =	shalt  }
0x71: {  	_ =	shalt  }
0x72: {  	_ =	shalt  }
0x73: {  	_ =	shalt  }
0x74: {  	_ =	shalt  }
0x75: {  	_ =	shalt  }
0x76: {  	_ =	shalt  }
0x77: {  	_ =	shalt  }
0x78: {  	_ =	shalt  }
0x79: {  	_ =	shalt  }
0x7a: {  	_ =	shalt  }
0x7b: {  	_ =	shalt  }
0x7c: {  	_ =	shalt  }
0x7d: {  	_ =	shalt  }
0x7e: {  	_ =	shalt  }
0x7f: {  	_ =	shalt  }
0x80: {  	_ =	shalt  }
0x81: {  	_ =	shalt  }
0x82: {  	_ =	shalt  }
0x83: {  	_ =	shalt  }
0x84: {  	_ =	shalt  }
0x85: {  	_ =	shalt  }
0x86: {  	_ =	shalt  }
0x87: {  	_ =	shalt  }
.Lfunc_end0:
.L_simem_size_0:
called_computation_lowered:
.L_overlay_start_0:
0x88: {  	s2 =	sld [smem:$0x3FD9]  }
0x89: {  	s3 =	sld [smem:$0x3FFE];
	_ =	sdelay $0x1  }
0x8a: {  	s1 =	srdreg.scid  }
0x8b: {  	s0 =	sand.u32 $0x1, s1  }
0x8c: {  	s17 =	sshll.u32 s0, $0xA;
	s2 =	sadd.s32 s3, s2  }
0x8d: {  	s2 =	sadd.s32 s2, s17  }
0x8e: {  	[smem:$0x3FC1] =	sst s2  }
0x8f: {  	_ = 	snop  }
0x90: {  	s2 =	sld [smem:$0x3FC7]  }
0x91: {  	s18 =	sld [smem:$0x3FD0];
	(tm) =	ssettm $0x1  }
0x92: {  	s4 =	sld [smem:$0x3FFB];
	_ =	sdelay $0x3  }
0x93: {  	_ =	strace s4  }
0x94: {  	s4 =	sld [smem:$0x3FFC];
	_ =	sdelay $0x3  }
0x95: {  	_ =	strace s4  }
0x96: {  	s4 =	sld [smem:$0x3FFD];
	_ =	sdelay $0x3  }
0x97: {  	_ =	strace s4  }
0x98: {  	_ =	strace $0x8FFFFFFF  }
0x99: {  	s19 =	sld [smem:$0x3FDB];
	_ =	sdelay $0x1  }
0x9a: {  	s5 =	simm.s32 $_scs_section_size  }
0x9b: {  	s6 =	simm.s32 $_size__tile_overlayer_lowered;
	s7 =	simm.s32 $_tile_overlayer_lowered  }
0x9c: {  	s22 =	simm.s32 $0x1BFF;
	s21 =	sshll.u32 s7, $0x1;
	s4 =	sadd.s32 s5, s19  }
0x9d: {  	s8 =	simm.s32 $0x0;
	s20 =	sshll.u32 s6, $0x1;
	s6 =	sadd.s32 s21, s4  }
0x9e: {  	[timem:s8], [sflag:s22] =	dma.local [hbm:s6], s20  }
0x9f: {  	_ =	swait.ge [sflag:s22], s20  }
0xa0: {  	s5 =	ssub.s32 $0x0, s20;
	[sflag:s22] =	ssyncset.done $0x0  }
0xa1: {  	[sflag:s22] =	ssyncadd.s32 s5;
	_ =	sdelay $0x1  }
0xa2: {  	s23 =	simm.s32 $0x1B8B  }
0xa3: {  	_ =	swait.ge [sflag:s23], $0x1  }
0xa4: {  	[sflag:s23] =	ssyncset.done $0x0  }
0xa5: {  	s25 =	simm.s32 $0x1B8E;
	s24 =	sld [smem:$0x3FFE];
	[sflag:s23] =	ssyncadd.s32 $0xFFFFFFFF  }
0xa6: {  	s26 =	simm.s32 $execute0_lowered;
	[smem:$0x3FD2] =	sst s25  }
0xa7: {  	s6 =	sshll.u32 s26, $0x1;
	_ =	strace $0x80000046;
	[dreg:$0x1] =	wrdreg $0xFFFFFFFF  }
0xa8: {  	s28 =	simm.s32 $_size_execute0_lowered;
	s4 =	sadd.s32 s4, s6;
	[dreg:$0x0] =	wrdreg $0x0  }
0xa9: {  	s6 =	sshll.u32 s28, $0x1;
	[dreg:$0x2] =	wrdreg s4  }
0xaa: {  	[dreg:$0x3] =	wrdreg s6  }
0xab: {  	[dreg:$0x4] =	wrdreg $0xC0  }
0xac: {  	_ =	task [dreg:s8], $0x5FFFF  }
0xad: {  	[dreg:$0x1] =	wrdreg $0xFFFFFFFF  }
0xae: {  	[dreg:$0x0] =	wrdreg $0x60  }
0xaf: {  	[dreg:$0x2] =	wrdreg s18  }
0xb0: {  	[dreg:$0x3] =	wrdreg s24  }
0xb1: {  	[dreg:$0x4] =	wrdreg s2  }
0xb2: {  	[dreg:$0x5] =	wrdreg $0x132C00  }
0xb3: {  	[dreg:$0x6] =	wrdreg $0x13F000  }
0xb4: {  	[dreg:$0x7] =	wrdreg $0x9  }
0xb5: {  	_ =	task.clear_ibuf [dreg:s8], $0x8FFFF;
	_ =	strace $0x90000046  }
0xb6: {  	s29 =	simm.s32 $0x9;
	_ =	strace $0x80000048  }
0xb7: {  	_ =	swait.ge [sflag:s29], $0x1  }
0xb8: {  	[sflag:s29] =	ssyncadd.s32 $0xFFFFFFFF  }
0xb9: {  	_ =	strace $0x90000048  }
0xba: {  	_ =	sfence  }
0xbb: {  	s30 =	sld [smem:$0x0];
	_ =	sdelay $0x2  }
0xbc: {  	s31 =	sshll.u32 s1, $0xD;
	s1 =	sshrl.u32 s1, $0x2  }
0xbd: {  	s3 =	sand.u32 $0x4000, s31;
	s1 =	sadd.s32 s1, s30  }
0xbe: {  	s0 =	sor.u32 s3, s0;
	s1 =	sshll.u32 s1, $0x11  }
0xbf: {  	s0 =	sor.u32 s1, s0  }
0xc0: {  	s0 =	sadd.s32 $0x8F2B, s0  }
0xc1: {  	[sflag:s0] =	ssyncadd.remote.s32 $0x1  }
0xc2: {  	_ =	sfence.sel $0xFFFF  }
0xc3: {  	[dreg:$0x0] =	wrdreg $0xFFFFFFFF;
	(pc) =	sbr.abs _section_cstart, $3  }
0xc4: {  	[dreg:$0x1] =	wrdreg $0xFFFFFFFF  }
0xc5: {  	_ =	task.clear_ibuf [dreg:s8], $0x2FFFF;
	_ =	strace $0x9FFFFFFF  }
0xc6: {  	(tm) =	ssettm $0x7FFFFFFF  }
0xc7: {  	_ =	shalt  }
tec
execute0_lowered:
.L_overlay_start_1:
0x0: {  	(tag) =	ssettag $0x1  }
0x1: {  	s10 =	rddreg [dreg:$0x0]  }
0x2: {  	s7 =	rddreg [dreg:$0x1]  }
0x3: {  	s13 =	rddreg [dreg:$0x2]  }
0x4: {  	s1 =	srdreg.scid;
	s2 =	rddreg [dreg:$0x3]  }
0x5: {  	s0 =	stileid.u32;
	s3 =	rddreg [dreg:$0x4];
	s4 =	simm.s32 $0x0  }
0x6: {  	s22 =	simm.s32 $0x1;
	s23 =	simm.s32 $0x2;
	s24 =	simm.s32 $0x0  }
0x7: {  	s12 =	sand.u32 $0x1, s1;
	s29 =	sshll.u32 s0, $0x1;
	[smem:$0x7FF] =	sst s4  }
0x8: {  	s6 =	sadd.s32 $0x1BA00, s7;
	s15 =	sadd.s32 $0x1BC00, s7;
	s16 =	sadd.s32 $0x1D600, s7  }
0x9: {  	s17 =	sadd.s32 $0x1F000, s7;
	s18 =	sadd.s32 $0x20A00, s7;
	s19 =	smul.u32 $0xC40, s0  }
0xa: {  	s1 =	sor.u32 s12, s29;
	s30 =	ssub.s32 $0x2, s12;
	p0 =	seq.s32 s12, $0x0  }
0xb: {  	s8 =	smul.u32 $0x186A, s1;
	s1 =	rddreg [dreg:$0x5];
	_ =	strace $0x80000047  }
0xc: {  	s9 =	sshrl.u32 s30, $0x1;
	s16 =	smov.u32 @p0 s15;
	s18 =	smov.u32 @p0 s17  }
0xd: {  	s17 =	simm.s32 $0x3;
	s21 =	ssub.s32 s30, s9;
	s5 =	sshrl.u32 s8, $0x1  }
0xe: {  	s20 =	sadd.s32 $0x186A, s8;
	s31 =	sshrl.u32 s8, $0x5;
	s8 =	sadd.s32 s19, s3  }
0xf: {  	s14 =	sand.u32 $0x1FFF0, s5;
	s5 =	sadd.s32 $0x1B800, s7;
	s20 =	sshrl.u32 s20, $0x5  }
0x10: {  	s11 =	sadd.s32 s14, s7;
	s7 =	sadd.s32 s19, s2;
	s9 =	ssub.s32 s20, s31  }
.Ltmp0:
0x11: {  	s10 =	sadd.s32 s10, s14;
	s12 =	sadd.s32 s13, s14;
	(pc) =	sbr.rel .LBB2_1-.Ltmp0, $4  }
0x12: {  	s19 =	sshrl.u32 s19, $0x3;
	s13 =	smax.u32 s21, $0x1;
	s20 =	simm.s32 $0xC400  }
0x13: {  	s21 =	simm.s32 $0x80;
	s11 =	sadd.s32 $0x3000, s11;
	s14 =	sadd.s32 s16, s19  }
0x14: {  	s15 =	sadd.s32 s18, s19;
	p0 =	slt.s32 s9, $0x1;
	s16 =	simm.s32 $0x12680  }
0x15: {  	s18 =	simm.s32 $0x12600;
	s19 =	simm.s32 $0x6200;
	p1 =	seq.s32 s9, $0x1  }
.LBB2_5:
0x16: {  	[sflag:s23] =	ssyncadd.s32 $0xFFFFFF80  }
.LBB2_6:
0x17: {  	_ =	swait.ge [sflag:s22], $0x80  }
0x18: {  	[sflag:s22] =	ssyncset.done $0x0  }
0x19: {  	[sflag:s22] =	ssyncadd.s32 $0xFFFFFF80  }
0x1a: {  	_ =	swait.ge [sflag:s23], $0x80  }
0x1b: {  	[sflag:s23] =	ssyncset.done $0x0  }
0x1c: {  	[sflag:s23] =	ssyncadd.s32 $0xFFFFFF80  }
.LBB2_7:
0x1d: {  	[bflag:$0x0] =	sbarrier.arrive $0xFFFF  }
0x1e: {  	[tilespmem:s16], [sflag:$0x3] =	stream.linear.gather [spmem:s7], $0xC40, $0x38;
	[tilespmem:$0x14B40] =	vst v63  }
0x1f: {  	_ =	swait.ge [sflag:s17], $0xC40  }
0x20: {  	[sflag:s17] =	ssyncset.done $0x0  }
0x21: {  	[sflag:s17] =	ssyncadd.s32 $0xFFFFF3C0  }
0x22: {  	[hbm4b:s14+s4] =	stream.linear.scatter [tilespmem:s16], [sflag:$0x3], $0xC40, $0x38;
	[tilespmem:$0x14B40] =	vst v63  }
0x23: {  	_ =	swait.ge [sflag:s17], $0xC40  }
0x24: {  	[sflag:s17] =	ssyncset.done $0x0  }
0x25: {  	[sflag:s17] =	ssyncadd.s32 $0xFFFFF3C0  }
0x26: {  	[tilespmem:s16], [sflag:$0x3] =	stream.linear.gather [spmem:s8], $0xC40, $0x38;
	[tilespmem:$0x14B40] =	vst v63  }
0x27: {  	s24 =	sadd.s32 $0x1, s24;
	_ =	swait.ge [sflag:s17], $0xC40  }
0x28: {  	p2 =	sne.s32 s24, s13;
	[sflag:s17] =	ssyncset.done $0x0  }
.Ltmp1:
0x29: {  	[sflag:s17] =	ssyncadd.s32 $0xFFFFF3C0;
	(pc) =	sbr.rel @!p2 .LBB2_8-.Ltmp1, $4  }
0x2a: {  	[hbm4b:s15+s4] =	stream.linear.scatter [tilespmem:s16], [sflag:$0x3], $0xC40, $0x38;
	[tilespmem:$0x14B40] =	vst v63  }
0x2b: {  	_ =	swait.ge [sflag:s17], $0xC40  }
0x2c: {  	[sflag:s17] =	ssyncset.done $0x0  }
0x2d: {  	[sflag:s17] =	ssyncadd.s32 $0xFFFFF3C0  }
.LBB2_1:
0x2e: {  	[tilespmem:s16], [sflag:$0x3] =	stream.linear.gather [hbm4b:s6+s4], $0xC40, $0x38;
	[tilespmem:$0x14B40] =	vst v63  }
0x2f: {  	_ =	swait.ge [sflag:s17], $0xC40  }
0x30: {  	[sflag:s17] =	ssyncset.done $0x0  }
0x31: {  	[sflag:s17] =	ssyncadd.s32 $0xFFFFF3C0  }
0x32: {  	[spmem:s7] =	stream.linear.scatter [tilespmem:s16], [sflag:$0x3], $0xC40, $0x38;
	[tilespmem:$0x14B40] =	vst v63  }
0x33: {  	_ =	swait.ge [sflag:s17], $0xC40  }
0x34: {  	[sflag:s17] =	ssyncset.done $0x0  }
0x35: {  	[sflag:s17] =	ssyncadd.s32 $0xFFFFF3C0  }
0x36: {  	[spmem:s8] =	stream.linear.scatter [tilespmem:s16], [sflag:$0x3], $0xC40, $0x38;
	[tilespmem:$0x14B40] =	vst v63  }
0x37: {  	_ =	swait.ge [sflag:s17], $0xC40  }
0x38: {  	[sflag:s17] =	ssyncset.done $0x0  }
0x39: {  	[sflag:s17] =	ssyncadd.s32 $0xFFFFF3C0  }
0x3a: {  	[tilespmem:s18], [sflag:$0x3] =	stream.linear.gather [hbm4b:s5+s4], $0x80, $0x38;
	[tilespmem:$0x14B40] =	vst v63  }
0x3b: {  	_ =	swait.ge [sflag:s17], $0x80  }
0x3c: {  	[sflag:s17] =	ssyncset.done $0x0  }
0x3d: {  	[sflag:s17] =	ssyncadd.s32 $0xFFFFFF80  }
0x3e: {  	[tilespmem:s4], [sflag:$0x3] =	stream.linear.gather [hbm4b:s10+s4], $0x6200, $0x38;
	[tilespmem:$0x14B40] =	vst v63  }
0x3f: {  	_ =	swait.ge [sflag:s17], $0x6200  }
0x40: {  	[sflag:s17] =	ssyncset.done $0x0  }
0x41: {  	[sflag:s17] =	ssyncadd.s32 $0xFFFF9E00  }
0x42: {  	[tilespmem:s19], [sflag:$0x3] =	stream.linear.gather [hbm4b:s11+s4], $0x6200, $0x38;
	[tilespmem:$0x14B40] =	vst v63  }
0x43: {  	_ =	swait.ge [sflag:s17], $0x6200  }
0x44: {  	[sflag:s17] =	ssyncset.done $0x0  }
0x45: {  	[sflag:s17] =	ssyncadd.s32 $0xFFFF9E00  }
0x46: {  	[tilespmem:s20], [sflag:$0x3] =	stream.linear.gather [hbm4b:s12+s4], $0x6200, $0x38;
	[tilespmem:$0x14B40] =	vst v63  }
0x47: {  	_ =	swait.ge [sflag:s17], $0x6200  }
0x48: {  	[sflag:s17] =	ssyncset.done $0x0  }
.Ltmp2:
0x49: {  	[sflag:s17] =	ssyncadd.s32 $0xFFFF9E00;
	(pc) =	sbr.rel @p0 .LBB2_7-.Ltmp2, $4  }
0x4a: {  	[bflag:$0x0] =	sbarrier.arrive $0xFFFF  }
0x4b: {  	[spmem:s2] =	stream.indirect.scatter.add.f32 [tilespmem:s20], [sflag:$0x1], $0x1, s4, s21, $0xb8;
	[tilespmem:$0x14B40] =	vst v63  }
0x4c: {  	_ = 	snop  }
0x4d: {  	[spmem:s3] =	stream.indirect.scatter.add.f32 [tilespmem:s18], [sflag:$0x2], $0x1, s19, s21, $0xb8;
	[tilespmem:$0x14B40] =	vst v63  }
.Ltmp3:
0x4e: {  	(pc) =	sbr.rel @p1 .LBB2_6-.Ltmp3, $1  }
0x4f: {  	_ =	sdelay $0x3  }
0x50: {  	s25 =	simm.s32 $0xC480;
	s26 =	simm.s32 $0x80  }
0x51: {  	[spmem:s2] =	stream.indirect.scatter.add.f32 [tilespmem:s25], [sflag:$0x1], $0x1, s26, s21, $0xb8;
	[tilespmem:$0x14B40] =	vst v63  }
0x52: {  	s31 =	simm.s32 $0x6280;
	p2 =	sgt.s32 s9, $0x2  }
0x53: {  	[spmem:s3] =	stream.indirect.scatter.add.f32 [tilespmem:s18], [sflag:$0x2], $0x1, s31, s21, $0xb8;
	[tilespmem:$0x14B40] =	vst v63  }
.Ltmp4:
0x54: {  	_ =	swait.ge [sflag:s22], $0x80;
	(pc) =	sbr.rel @!p2 .LBB2_5-.Ltmp4, $4  }
0x55: {  	[sflag:s22] =	ssyncset.done $0x0  }
0x56: {  	[sflag:s22] =	ssyncadd.s32 $0xFFFFFF80  }
0x57: {  	s28 =	simm.s32 $0x100;
	_ =	swait.ge [sflag:s23], $0x80  }
0x58: {  	s29 =	simm.s32 $0x6300;
	s26 =	simm.s32 $0x2;
	[sflag:s23] =	ssyncset.done $0x0  }
.LBB2_4:
0x59: {  	s26 =	sadd.s32 $0x1, s26;
	[sflag:s23] =	ssyncadd.s32 $0xFFFFFF80;
	s25 =	sadd.s32 $0x80, s25  }
0x5a: {  	[spmem:s2] =	stream.indirect.scatter.add.f32 [tilespmem:s25], [sflag:$0x1], $0x1, s28, s21, $0xb8;
	[tilespmem:$0x14B40] =	vst v63  }
0x5b: {  	p2 =	slt.s32 s26, s9  }
0x5c: {  	[spmem:s3] =	stream.indirect.scatter.add.f32 [tilespmem:s18], [sflag:$0x2], $0x1, s29, s21, $0xb8;
	[tilespmem:$0x14B40] =	vst v63  }
.Ltmp5:
0x5d: {  	_ =	swait.ge [sflag:s22], $0x80;
	(pc) =	sbr.rel @p2 .LBB2_4-.Ltmp5, $4  }
0x5e: {  	[sflag:s22] =	ssyncset.done $0x0  }
0x5f: {  	[sflag:s22] =	ssyncadd.s32 $0xFFFFFF80  }
0x60: {  	_ =	swait.ge [sflag:s23], $0x80  }
0x61: {  	s28 =	sadd.s32 $0x80, s28;
	s29 =	sadd.s32 $0x80, s29;
	[sflag:s23] =	ssyncset.done $0x0  }
.Ltmp6:
0x62: {  	_ = 	snop;
	(pc) =	sbr.rel .LBB2_5-.Ltmp6, $1  }
0x63: {  	_ =	sdelay $0x3  }
.LBB2_8:
0x64: {  	_ =	sfence.sel $0x180000  }
0x65: {  	[bflag:$0x0] =	sbarrier.arrive $0xFFFF  }
0x66: {  	p0 =	sne.s32 s0, $0x0;
	_ =	strace $0x90000047  }
0x67: {  	s0 =	sadd.s32 @!p0 $0x100000, s1;
	[bflag:$0x2] =	sbarrier.arrive $0xFFFF  }
0x68: {  	[sflag:s0] =	ssyncadd.tile.s32 @!p0 $0x1;
	_ =	shalt  }
.Lfunc_end2:
_tile_overlayer_lowered:
.L_overlay_start_2:
0x69: {  	(tag) =	ssettag $0x2  }
0x6a: {  	s0 =	rddreg [dreg:$0x0];
	s2 =	stileid.u32  }
0x6b: {  	s1 =	rddreg [dreg:$0x1];
	p0 =	sne.s32 s2, $0x0  }
0x6c: {  	s3 =	rddreg [dreg:$0x2];
	[bflag:$0x3] =	sbarrier.arrive $0xFFFF;
	s2 =	simm.s32 @!p0 $0x1C03  }
0x6d: {  	[timem:s3], [sflag:s2] =	dma.local @!p0 [hbm:s0], s1  }
0x6e: {  	s0 =	simm.s32 @!p0 $0x3  }
0x6f: {  	_ =	swait.ge @!p0 [sflag:s0], s1  }
0x70: {  	s1 =	ssub.s32 @!p0 $0x0, s1;
	[sflag:s0] =	ssyncset.done @!p0 $0x0  }
0x71: {  	[sflag:s0] =	ssyncadd.s32 @!p0 s1  }
0x72: {  	[bflag:$0x3] =	sbarrier.arrive $0xFFFF  }
0x73: {  	_ =	shalt  }

</sc_bundles>
